<compile_context>
chip_gen: v7x
topology: tpu7x:2x2x1
jax: 0.10.2.dev20260603
libtpu: 0.0.44.dev20260713+nightly
codegen_flags: <defaults>
</compile_context>

<pallas_src>
import functools

import jax
import jax.numpy as jnp
from jax import lax
from jax.experimental import pallas as pl
from jax.experimental.pallas import tpu as pltpu
from jax.experimental.pallas import tpu_sc as plsc

_ROWS = 1001
_EMBED_DIM = 128
_BATCH = 16384
_NC, _NS = 2, 16
_NW = _NC * _NS
_BPW = _BATCH // _NW
_CS = 64
_NCHUNK = _BPW // _CS
_STG = 64
_STG_LAST = 936

_mesh = plsc.VectorSubcoreMesh(core_axis_name="c", subcore_axis_name="s")


@functools.partial(
    pl.kernel,
    mesh=_mesh,
    out_type=jax.ShapeDtypeStruct((_BATCH, _EMBED_DIM), jnp.float32),
    scratch_types=[
        pltpu.VMEM((_BPW,), jnp.int32),
        pltpu.VMEM((_BPW, _EMBED_DIM), jnp.float32),
        pltpu.VMEM_SHARED((_ROWS, _EMBED_DIM), jnp.float32),
        pltpu.SemaphoreType.DMA,
        pltpu.SemaphoreType.DMA,
        pltpu.SemaphoreType.DMA,
    ] + [pltpu.SemaphoreType.DMA] * _NCHUNK,
)
def _embed(labels_hbm, table_hbm, out_hbm, idx_v, rows_v, tbl_s,
           ssem, isem, wsem, *gsems):
    sid = lax.axis_index("s")
    wid = sid * _NC + lax.axis_index("c")

    off = lax.select(sid == _NS - 1, _STG_LAST, sid * _STG)
    stage = pltpu.async_copy(table_hbm.at[pl.ds(off, _STG)],
                             tbl_s.at[pl.ds(off, _STG)], ssem)
    idx_load = pltpu.async_copy(
        labels_hbm.at[pl.ds(wid * _BPW, _BPW)], idx_v, isem)
    idx_load.wait()
    _PRE = 1
    pre = [
        pltpu.async_copy(
            table_hbm.at[idx_v.at[pl.ds(j * _CS, _CS)]],
            rows_v.at[pl.ds(j * _CS, _CS)], gsems[j])
        for j in range(_PRE)
    ]
    stage.wait()
    plsc.subcore_barrier()

    gathers = pre + [
        pltpu.async_copy(
            tbl_s.at[idx_v.at[pl.ds(j * _CS, _CS)]],
            rows_v.at[pl.ds(j * _CS, _CS)],
            gsems[j],
        )
        for j in range(_PRE, _NCHUNK)
    ]
    writes = []
    for j in range(_NCHUNK):
        gathers[j].wait()
        writes.append(
            pltpu.async_copy(
                rows_v.at[pl.ds(j * _CS, _CS)],
                out_hbm.at[pl.ds(wid * _BPW + j * _CS, _CS)],
                wsem,
            )
        )
    for w in writes:
        w.wait()


def kernel(labels, train, embedding_table):
    del train
    return _embed(labels.astype(jnp.int32), embedding_table)

# --- scband reference (transcript-rebuilt; emitter-appended) ---
"""Pipeline reference for scband-label-embedder-32401233281051 (READ-ONLY COPY).

The authoritative reference and input builder live on the scoring server;
editing this copy changes nothing except your own understanding.
"""

import jax, jax.numpy as jnp
import numpy as np

NUM_CLASSES = 1000
EMBED_DIM = 128
BATCH = 16384
DPO = 0.1

def setup_inputs(seed: int = 0) -> dict:
    key = jax.random.key(seed)
    k1, k2 = jax.random.split(key)
    labels = jax.random.randint(k1, (BATCH,), 0, NUM_CLASSES, dtype=jnp.int64 if jax.config.jax_enable_x64 else jnp.int32)
    # embedding table has num_classes + 1 rows (extra row is the 'dropped' class)
    embedding_table = jax.random.normal(k2, (NUM_CLASSES + 1, EMBED_DIM), dtype=jnp.float32) * 0.02
    return {"labels": labels, "train": False, "embedding_table": embedding_table}

def reference(labels, train, embedding_table):
    # Faithful translation of LabelEmbedder.forward with train=False (eval mode):
    # token_drop is skipped when not training, so this is a pure embedding gather.
    # (token_drop uses torch.rand and is only active in training; we evaluate with
    # train=False so the reference is deterministic.)
    train = jnp.asarray(train, dtype=bool)
    embeddings = jnp.take(embedding_table, labels, axis=0)
    embeddings = jnp.where(train & (DPO > 0), embeddings, embeddings)
    return embeddings

if __name__ == "__main__":
    import jax
    _d = setup_inputs()
    print(jax.jit(kernel)(*tuple(_d.values())))

</pallas_src>

<mosaic_0001>
#map = affine_map<(d0, d1) -> (0)>
#map1 = affine_map<(d0, d1) -> (0, 0)>
module attributes {stable_mosaic.version = 14 : i64} {
  func.func @_embed(%arg0: i32, %arg1: i32, %arg2: memref<16384xi32, #tpu.memory_space<hbm>>, %arg3: memref<1001x128xf32, #tpu.memory_space<hbm>>, %arg4: memref<16384x128xf32, #tpu.memory_space<hbm>>, %arg5: memref<512xi32, #tpu.memory_space<vmem>>, %arg6: memref<512x128xf32, #tpu.memory_space<vmem>>, %arg7: memref<1001x128xf32, #tpu.memory_space<vmem_shared>>, %arg8: memref<!tpu.dma_semaphore, #tpu.memory_space<semaphore_mem>>, %arg9: memref<!tpu.dma_semaphore, #tpu.memory_space<semaphore_mem>>, %arg10: memref<!tpu.dma_semaphore, #tpu.memory_space<semaphore_mem>>, %arg11: memref<!tpu.dma_semaphore, #tpu.memory_space<semaphore_mem>>, %arg12: memref<!tpu.dma_semaphore, #tpu.memory_space<semaphore_mem>>, %arg13: memref<!tpu.dma_semaphore, #tpu.memory_space<semaphore_mem>>, %arg14: memref<!tpu.dma_semaphore, #tpu.memory_space<semaphore_mem>>, %arg15: memref<!tpu.dma_semaphore, #tpu.memory_space<semaphore_mem>>, %arg16: memref<!tpu.dma_semaphore, #tpu.memory_space<semaphore_mem>>, %arg17: memref<!tpu.dma_semaphore, #tpu.memory_space<semaphore_mem>>, %arg18: memref<!tpu.dma_semaphore, #tpu.memory_space<semaphore_mem>>) attributes {dimension_semantics = [#tpu.dimension_semantics<core_parallel>, #tpu.dimension_semantics<subcore_parallel>], iteration_bounds = array<i64: 2, 16>, scalar_prefetch = 0 : i64, scratch_operands = 14 : i64, tpu.core_type = #tpu.core_type<sc_vector_subcore>, window_params = [{transform_indices = #map}, {transform_indices = #map1}, {transform_indices = #map1}]} {
    %mul3A = arith.constant 2 : i32
    %mul3A_0 = arith.muli %arg1, %mul3A : i32
    %add3A = arith.addi %mul3A_0, %arg0 : i32
    %eq3A = arith.constant 15 : i32
    %eq3A_1 = arith.cmpi eq, %arg1, %eq3A : i32
    %mul3A_2 = arith.constant 64 : i32
    %mul3A_3 = arith.muli %arg1, %mul3A_2 : i32
    %select_n3A = arith.constant 936 : i32
    %select_n3A_4 = arith.select %eq3A_1, %select_n3A, %mul3A_3 : i32
    %dma_start3A = arith.constant 0 : i32
    %dma_start3A_5 = tpu.memref_slice %arg7[%select_n3A_4, %dma_start3A] : memref<1001x128xf32, #tpu.memory_space<vmem_shared>> -> memref<64x128xf32, #tpu.memory_space<vmem_shared>>
    %dma_start3A_6 = arith.constant 0 : i32
    %dma_start3A_7 = tpu.memref_slice %arg3[%select_n3A_4, %dma_start3A_6] : memref<1001x128xf32, #tpu.memory_space<hbm>> -> memref<64x128xf32, #tpu.memory_space<hbm>>
    tpu.enqueue_dma source(%dma_start3A_7 : memref<64x128xf32, #tpu.memory_space<hbm>>) target(%dma_start3A_5 : memref<64x128xf32, #tpu.memory_space<vmem_shared>>) target_semaphore(%arg8 : memref<!tpu.dma_semaphore, #tpu.memory_space<semaphore_mem>>)
    %mul3A_8 = arith.constant 512 : i32
    %mul3A_9 = arith.muli %add3A, %mul3A_8 : i32
    %dma_start3A_10 = tpu.memref_slice %arg2[%mul3A_9] : memref<16384xi32, #tpu.memory_space<hbm>> -> memref<512xi32, #tpu.memory_space<hbm>>
    %dma_start3A_11 = tpu.memref_slice %arg2[%mul3A_9] : memref<16384xi32, #tpu.memory_space<hbm>> -> memref<512xi32, #tpu.memory_space<hbm>>
    tpu.enqueue_dma source(%dma_start3A_11 : memref<512xi32, #tpu.memory_space<hbm>>) target(%arg5 : memref<512xi32, #tpu.memory_space<vmem>>) target_semaphore(%arg9 : memref<!tpu.dma_semaphore, #tpu.memory_space<semaphore_mem>>)
    %dma_wait3A = tpu.memref_slice %arg2[%mul3A_9] : memref<16384xi32, #tpu.memory_space<hbm>> -> memref<512xi32, #tpu.memory_space<hbm>>
    %dma_wait3A_12 = tpu.memref_slice %arg2[%mul3A_9] : memref<16384xi32, #tpu.memory_space<hbm>> -> memref<512xi32, #tpu.memory_space<hbm>>
    tpu.wait_dma2 semaphore(%arg9 : memref<!tpu.dma_semaphore, #tpu.memory_space<semaphore_mem>>) src(%dma_wait3A_12 : memref<512xi32, #tpu.memory_space<hbm>>) dst(%arg5 : memref<512xi32, #tpu.memory_space<vmem>>)
    %dma_start3A_13 = arith.constant 0 : i32
    %dma_start3A_14 = arith.constant 0 : i32
    %dma_start3A_15 = tpu.memref_slice %arg6[%dma_start3A_13, %dma_start3A_14] : memref<512x128xf32, #tpu.memory_space<vmem>> -> memref<64x128xf32, #tpu.memory_space<vmem>>
    %dma_start3A_16 = arith.constant 0 : i32
    %dma_start3A_17 = tpu.memref_slice %arg5[%dma_start3A_16] : memref<512xi32, #tpu.memory_space<vmem>> -> memref<64xi32, #tpu.memory_space<vmem>>
    %dma_start3A_18 = arith.constant 0 : i32
    %dma_start3A_19 = arith.constant 0 : i32
    %dma_start3A_20 = tpu.memref_slice %arg3[%dma_start3A_18, %dma_start3A_19] : memref<1001x128xf32, #tpu.memory_space<hbm>> -> memref<1001x128xf32, #tpu.memory_space<hbm>>
    tpu.enqueue_indirect_dma source(%dma_start3A_20 : memref<1001x128xf32, #tpu.memory_space<hbm>>) target(%dma_start3A_15 : memref<64x128xf32, #tpu.memory_space<vmem>>) offsets(%dma_start3A_17 : memref<64xi32, #tpu.memory_space<vmem>>) semaphore(%arg11 : memref<!tpu.dma_semaphore, #tpu.memory_space<semaphore_mem>>)
    %dma_wait3A_21 = arith.constant 0 : i32
    %dma_wait3A_22 = tpu.memref_slice %arg7[%select_n3A_4, %dma_wait3A_21] : memref<1001x128xf32, #tpu.memory_space<vmem_shared>> -> memref<64x128xf32, #tpu.memory_space<vmem_shared>>
    %dma_wait3A_23 = arith.constant 0 : i32
    %dma_wait3A_24 = tpu.memref_slice %arg3[%select_n3A_4, %dma_wait3A_23] : memref<1001x128xf32, #tpu.memory_space<hbm>> -> memref<64x128xf32, #tpu.memory_space<hbm>>
    tpu.wait_dma2 semaphore(%arg8 : memref<!tpu.dma_semaphore, #tpu.memory_space<semaphore_mem>>) src(%dma_wait3A_24 : memref<64x128xf32, #tpu.memory_space<hbm>>) dst(%dma_wait3A_22 : memref<64x128xf32, #tpu.memory_space<vmem_shared>>)
    %barrier3A = arith.constant 0 : index
    tpu.barrier barrier_id(%barrier3A)
    %dma_start3A_25 = arith.constant 64 : i32
    %dma_start3A_26 = arith.constant 0 : i32
    %dma_start3A_27 = tpu.memref_slice %arg6[%dma_start3A_25, %dma_start3A_26] : memref<512x128xf32, #tpu.memory_space<vmem>> -> memref<64x128xf32, #tpu.memory_space<vmem>>
    %dma_start3A_28 = arith.constant 64 : i32
    %dma_start3A_29 = tpu.memref_slice %arg5[%dma_start3A_28] : memref<512xi32, #tpu.memory_space<vmem>> -> memref<64xi32, #tpu.memory_space<vmem>>
    %dma_start3A_30 = arith.constant 0 : i32
    %dma_start3A_31 = arith.constant 0 : i32
    %dma_start3A_32 = tpu.memref_slice %arg7[%dma_start3A_30, %dma_start3A_31] : memref<1001x128xf32, #tpu.memory_space<vmem_shared>> -> memref<1001x128xf32, #tpu.memory_space<vmem_shared>>
    tpu.enqueue_indirect_dma source(%dma_start3A_32 : memref<1001x128xf32, #tpu.memory_space<vmem_shared>>) target(%dma_start3A_27 : memref<64x128xf32, #tpu.memory_space<vmem>>) offsets(%dma_start3A_29 : memref<64xi32, #tpu.memory_space<vmem>>) semaphore(%arg12 : memref<!tpu.dma_semaphore, #tpu.memory_space<semaphore_mem>>)
    %dma_start3A_33 = arith.constant 128 : i32
    %dma_start3A_34 = arith.constant 0 : i32
    %dma_start3A_35 = tpu.memref_slice %arg6[%dma_start3A_33, %dma_start3A_34] : memref<512x128xf32, #tpu.memory_space<vmem>> -> memref<64x128xf32, #tpu.memory_space<vmem>>
    %dma_start3A_36 = arith.constant 128 : i32
    %dma_start3A_37 = tpu.memref_slice %arg5[%dma_start3A_36] : memref<512xi32, #tpu.memory_space<vmem>> -> memref<64xi32, #tpu.memory_space<vmem>>
    %dma_start3A_38 = arith.constant 0 : i32
    %dma_start3A_39 = arith.constant 0 : i32
    %dma_start3A_40 = tpu.memref_slice %arg7[%dma_start3A_38, %dma_start3A_39] : memref<1001x128xf32, #tpu.memory_space<vmem_shared>> -> memref<1001x128xf32, #tpu.memory_space<vmem_shared>>
    tpu.enqueue_indirect_dma source(%dma_start3A_40 : memref<1001x128xf32, #tpu.memory_space<vmem_shared>>) target(%dma_start3A_35 : memref<64x128xf32, #tpu.memory_space<vmem>>) offsets(%dma_start3A_37 : memref<64xi32, #tpu.memory_space<vmem>>) semaphore(%arg13 : memref<!tpu.dma_semaphore, #tpu.memory_space<semaphore_mem>>)
    %dma_start3A_41 = arith.constant 192 : i32
    %dma_start3A_42 = arith.constant 0 : i32
    %dma_start3A_43 = tpu.memref_slice %arg6[%dma_start3A_41, %dma_start3A_42] : memref<512x128xf32, #tpu.memory_space<vmem>> -> memref<64x128xf32, #tpu.memory_space<vmem>>
    %dma_start3A_44 = arith.constant 192 : i32
    %dma_start3A_45 = tpu.memref_slice %arg5[%dma_start3A_44] : memref<512xi32, #tpu.memory_space<vmem>> -> memref<64xi32, #tpu.memory_space<vmem>>
    %dma_start3A_46 = arith.constant 0 : i32
    %dma_start3A_47 = arith.constant 0 : i32
    %dma_start3A_48 = tpu.memref_slice %arg7[%dma_start3A_46, %dma_start3A_47] : memref<1001x128xf32, #tpu.memory_space<vmem_shared>> -> memref<1001x128xf32, #tpu.memory_space<vmem_shared>>
    tpu.enqueue_indirect_dma source(%dma_start3A_48 : memref<1001x128xf32, #tpu.memory_space<vmem_shared>>) target(%dma_start3A_43 : memref<64x128xf32, #tpu.memory_space<vmem>>) offsets(%dma_start3A_45 : memref<64xi32, #tpu.memory_space<vmem>>) semaphore(%arg14 : memref<!tpu.dma_semaphore, #tpu.memory_space<semaphore_mem>>)
    %dma_start3A_49 = arith.constant 256 : i32
    %dma_start3A_50 = arith.constant 0 : i32
    %dma_start3A_51 = tpu.memref_slice %arg6[%dma_start3A_49, %dma_start3A_50] : memref<512x128xf32, #tpu.memory_space<vmem>> -> memref<64x128xf32, #tpu.memory_space<vmem>>
    %dma_start3A_52 = arith.constant 256 : i32
    %dma_start3A_53 = tpu.memref_slice %arg5[%dma_start3A_52] : memref<512xi32, #tpu.memory_space<vmem>> -> memref<64xi32, #tpu.memory_space<vmem>>
    %dma_start3A_54 = arith.constant 0 : i32
    %dma_start3A_55 = arith.constant 0 : i32
    %dma_start3A_56 = tpu.memref_slice %arg7[%dma_start3A_54, %dma_start3A_55] : memref<1001x128xf32, #tpu.memory_space<vmem_shared>> -> memref<1001x128xf32, #tpu.memory_space<vmem_shared>>
    tpu.enqueue_indirect_dma source(%dma_start3A_56 : memref<1001x128xf32, #tpu.memory_space<vmem_shared>>) target(%dma_start3A_51 : memref<64x128xf32, #tpu.memory_space<vmem>>) offsets(%dma_start3A_53 : memref<64xi32, #tpu.memory_space<vmem>>) semaphore(%arg15 : memref<!tpu.dma_semaphore, #tpu.memory_space<semaphore_mem>>)
    %dma_start3A_57 = arith.constant 320 : i32
    %dma_start3A_58 = arith.constant 0 : i32
    %dma_start3A_59 = tpu.memref_slice %arg6[%dma_start3A_57, %dma_start3A_58] : memref<512x128xf32, #tpu.memory_space<vmem>> -> memref<64x128xf32, #tpu.memory_space<vmem>>
    %dma_start3A_60 = arith.constant 320 : i32
    %dma_start3A_61 = tpu.memref_slice %arg5[%dma_start3A_60] : memref<512xi32, #tpu.memory_space<vmem>> -> memref<64xi32, #tpu.memory_space<vmem>>
    %dma_start3A_62 = arith.constant 0 : i32
    %dma_start3A_63 = arith.constant 0 : i32
    %dma_start3A_64 = tpu.memref_slice %arg7[%dma_start3A_62, %dma_start3A_63] : memref<1001x128xf32, #tpu.memory_space<vmem_shared>> -> memref<1001x128xf32, #tpu.memory_space<vmem_shared>>
    tpu.enqueue_indirect_dma source(%dma_start3A_64 : memref<1001x128xf32, #tpu.memory_space<vmem_shared>>) target(%dma_start3A_59 : memref<64x128xf32, #tpu.memory_space<vmem>>) offsets(%dma_start3A_61 : memref<64xi32, #tpu.memory_space<vmem>>) semaphore(%arg16 : memref<!tpu.dma_semaphore, #tpu.memory_space<semaphore_mem>>)
    %dma_start3A_65 = arith.constant 384 : i32
    %dma_start3A_66 = arith.constant 0 : i32
    %dma_start3A_67 = tpu.memref_slice %arg6[%dma_start3A_65, %dma_start3A_66] : memref<512x128xf32, #tpu.memory_space<vmem>> -> memref<64x128xf32, #tpu.memory_space<vmem>>
    %dma_start3A_68 = arith.constant 384 : i32
    %dma_start3A_69 = tpu.memref_slice %arg5[%dma_start3A_68] : memref<512xi32, #tpu.memory_space<vmem>> -> memref<64xi32, #tpu.memory_space<vmem>>
    %dma_start3A_70 = arith.constant 0 : i32
    %dma_start3A_71 = arith.constant 0 : i32
    %dma_start3A_72 = tpu.memref_slice %arg7[%dma_start3A_70, %dma_start3A_71] : memref<1001x128xf32, #tpu.memory_space<vmem_shared>> -> memref<1001x128xf32, #tpu.memory_space<vmem_shared>>
    tpu.enqueue_indirect_dma source(%dma_start3A_72 : memref<1001x128xf32, #tpu.memory_space<vmem_shared>>) target(%dma_start3A_67 : memref<64x128xf32, #tpu.memory_space<vmem>>) offsets(%dma_start3A_69 : memref<64xi32, #tpu.memory_space<vmem>>) semaphore(%arg17 : memref<!tpu.dma_semaphore, #tpu.memory_space<semaphore_mem>>)
    %dma_start3A_73 = arith.constant 448 : i32
    %dma_start3A_74 = arith.constant 0 : i32
    %dma_start3A_75 = tpu.memref_slice %arg6[%dma_start3A_73, %dma_start3A_74] : memref<512x128xf32, #tpu.memory_space<vmem>> -> memref<64x128xf32, #tpu.memory_space<vmem>>
    %dma_start3A_76 = arith.constant 448 : i32
    %dma_start3A_77 = tpu.memref_slice %arg5[%dma_start3A_76] : memref<512xi32, #tpu.memory_space<vmem>> -> memref<64xi32, #tpu.memory_space<vmem>>
    %dma_start3A_78 = arith.constant 0 : i32
    %dma_start3A_79 = arith.constant 0 : i32
    %dma_start3A_80 = tpu.memref_slice %arg7[%dma_start3A_78, %dma_start3A_79] : memref<1001x128xf32, #tpu.memory_space<vmem_shared>> -> memref<1001x128xf32, #tpu.memory_space<vmem_shared>>
    tpu.enqueue_indirect_dma source(%dma_start3A_80 : memref<1001x128xf32, #tpu.memory_space<vmem_shared>>) target(%dma_start3A_75 : memref<64x128xf32, #tpu.memory_space<vmem>>) offsets(%dma_start3A_77 : memref<64xi32, #tpu.memory_space<vmem>>) semaphore(%arg18 : memref<!tpu.dma_semaphore, #tpu.memory_space<semaphore_mem>>)
    %dma_wait3A_81 = arith.constant 0 : i32
    %dma_wait3A_82 = arith.constant 0 : i32
    %dma_wait3A_83 = tpu.memref_slice %arg6[%dma_wait3A_81, %dma_wait3A_82] : memref<512x128xf32, #tpu.memory_space<vmem>> -> memref<64x128xf32, #tpu.memory_space<vmem>>
    %dma_wait3A_84 = arith.constant 0 : i32
    %dma_wait3A_85 = tpu.memref_slice %arg5[%dma_wait3A_84] : memref<512xi32, #tpu.memory_space<vmem>> -> memref<64xi32, #tpu.memory_space<vmem>>
    %dma_wait3A_86 = arith.constant 0 : i32
    %dma_wait3A_87 = arith.constant 0 : i32
    %dma_wait3A_88 = tpu.memref_slice %arg3[%dma_wait3A_86, %dma_wait3A_87] : memref<1001x128xf32, #tpu.memory_space<hbm>> -> memref<1001x128xf32, #tpu.memory_space<hbm>>
    tpu.wait_indirect_dma semaphore(%arg11 : memref<!tpu.dma_semaphore, #tpu.memory_space<semaphore_mem>>) src(%dma_wait3A_88 : memref<1001x128xf32, #tpu.memory_space<hbm>>) dst(%dma_wait3A_83 : memref<64x128xf32, #tpu.memory_space<vmem>>)
    %mul3A_89 = arith.constant 512 : i32
    %mul3A_90 = arith.muli %add3A, %mul3A_89 : i32
    %add3A_91 = arith.constant 0 : i32
    %add3A_92 = arith.addi %mul3A_90, %add3A_91 : i32
    %dma_start3A_93 = arith.constant 0 : i32
    %dma_start3A_94 = arith.constant 0 : i32
    %dma_start3A_95 = tpu.memref_slice %arg6[%dma_start3A_93, %dma_start3A_94] : memref<512x128xf32, #tpu.memory_space<vmem>> -> memref<64x128xf32, #tpu.memory_space<vmem>>
    %dma_start3A_96 = arith.constant 0 : i32
    %dma_start3A_97 = tpu.memref_slice %arg4[%add3A_92, %dma_start3A_96] : memref<16384x128xf32, #tpu.memory_space<hbm>> -> memref<64x128xf32, #tpu.memory_space<hbm>>
    %dma_start3A_98 = arith.constant 0 : i32
    %dma_start3A_99 = tpu.memref_slice %arg4[%add3A_92, %dma_start3A_98] : memref<16384x128xf32, #tpu.memory_space<hbm>> -> memref<64x128xf32, #tpu.memory_space<hbm>>
    %dma_start3A_100 = arith.constant 0 : i32
    %dma_start3A_101 = arith.constant 0 : i32
    %dma_start3A_102 = tpu.memref_slice %arg6[%dma_start3A_100, %dma_start3A_101] : memref<512x128xf32, #tpu.memory_space<vmem>> -> memref<64x128xf32, #tpu.memory_space<vmem>>
    tpu.enqueue_dma source(%dma_start3A_102 : memref<64x128xf32, #tpu.memory_space<vmem>>) target(%dma_start3A_99 : memref<64x128xf32, #tpu.memory_space<hbm>>) target_semaphore(%arg10 : memref<!tpu.dma_semaphore, #tpu.memory_space<semaphore_mem>>)
    %dma_wait3A_103 = arith.constant 64 : i32
    %dma_wait3A_104 = arith.constant 0 : i32
    %dma_wait3A_105 = tpu.memref_slice %arg6[%dma_wait3A_103, %dma_wait3A_104] : memref<512x128xf32, #tpu.memory_space<vmem>> -> memref<64x128xf32, #tpu.memory_space<vmem>>
    %dma_wait3A_106 = arith.constant 64 : i32
    %dma_wait3A_107 = tpu.memref_slice %arg5[%dma_wait3A_106] : memref<512xi32, #tpu.memory_space<vmem>> -> memref<64xi32, #tpu.memory_space<vmem>>
    %dma_wait3A_108 = arith.constant 0 : i32
    %dma_wait3A_109 = arith.constant 0 : i32
    %dma_wait3A_110 = tpu.memref_slice %arg7[%dma_wait3A_108, %dma_wait3A_109] : memref<1001x128xf32, #tpu.memory_space<vmem_shared>> -> memref<1001x128xf32, #tpu.memory_space<vmem_shared>>
    tpu.wait_indirect_dma semaphore(%arg12 : memref<!tpu.dma_semaphore, #tpu.memory_space<semaphore_mem>>) src(%dma_wait3A_110 : memref<1001x128xf32, #tpu.memory_space<vmem_shared>>) dst(%dma_wait3A_105 : memref<64x128xf32, #tpu.memory_space<vmem>>)
    %mul3A_111 = arith.constant 512 : i32
    %mul3A_112 = arith.muli %add3A, %mul3A_111 : i32
    %add3A_113 = arith.constant 64 : i32
    %add3A_114 = arith.addi %mul3A_112, %add3A_113 : i32
    %dma_start3A_115 = arith.constant 64 : i32
    %dma_start3A_116 = arith.constant 0 : i32
    %dma_start3A_117 = tpu.memref_slice %arg6[%dma_start3A_115, %dma_start3A_116] : memref<512x128xf32, #tpu.memory_space<vmem>> -> memref<64x128xf32, #tpu.memory_space<vmem>>
    %dma_start3A_118 = arith.constant 0 : i32
    %dma_start3A_119 = tpu.memref_slice %arg4[%add3A_114, %dma_start3A_118] : memref<16384x128xf32, #tpu.memory_space<hbm>> -> memref<64x128xf32, #tpu.memory_space<hbm>>
    %dma_start3A_120 = arith.constant 0 : i32
    %dma_start3A_121 = tpu.memref_slice %arg4[%add3A_114, %dma_start3A_120] : memref<16384x128xf32, #tpu.memory_space<hbm>> -> memref<64x128xf32, #tpu.memory_space<hbm>>
    %dma_start3A_122 = arith.constant 64 : i32
    %dma_start3A_123 = arith.constant 0 : i32
    %dma_start3A_124 = tpu.memref_slice %arg6[%dma_start3A_122, %dma_start3A_123] : memref<512x128xf32, #tpu.memory_space<vmem>> -> memref<64x128xf32, #tpu.memory_space<vmem>>
    tpu.enqueue_dma source(%dma_start3A_124 : memref<64x128xf32, #tpu.memory_space<vmem>>) target(%dma_start3A_121 : memref<64x128xf32, #tpu.memory_space<hbm>>) target_semaphore(%arg10 : memref<!tpu.dma_semaphore, #tpu.memory_space<semaphore_mem>>)
    %dma_wait3A_125 = arith.constant 128 : i32
    %dma_wait3A_126 = arith.constant 0 : i32
    %dma_wait3A_127 = tpu.memref_slice %arg6[%dma_wait3A_125, %dma_wait3A_126] : memref<512x128xf32, #tpu.memory_space<vmem>> -> memref<64x128xf32, #tpu.memory_space<vmem>>
    %dma_wait3A_128 = arith.constant 128 : i32
    %dma_wait3A_129 = tpu.memref_slice %arg5[%dma_wait3A_128] : memref<512xi32, #tpu.memory_space<vmem>> -> memref<64xi32, #tpu.memory_space<vmem>>
    %dma_wait3A_130 = arith.constant 0 : i32
    %dma_wait3A_131 = arith.constant 0 : i32
    %dma_wait3A_132 = tpu.memref_slice %arg7[%dma_wait3A_130, %dma_wait3A_131] : memref<1001x128xf32, #tpu.memory_space<vmem_shared>> -> memref<1001x128xf32, #tpu.memory_space<vmem_shared>>
    tpu.wait_indirect_dma semaphore(%arg13 : memref<!tpu.dma_semaphore, #tpu.memory_space<semaphore_mem>>) src(%dma_wait3A_132 : memref<1001x128xf32, #tpu.memory_space<vmem_shared>>) dst(%dma_wait3A_127 : memref<64x128xf32, #tpu.memory_space<vmem>>)
    %mul3A_133 = arith.constant 512 : i32
    %mul3A_134 = arith.muli %add3A, %mul3A_133 : i32
    %add3A_135 = arith.constant 128 : i32
    %add3A_136 = arith.addi %mul3A_134, %add3A_135 : i32
    %dma_start3A_137 = arith.constant 128 : i32
    %dma_start3A_138 = arith.constant 0 : i32
    %dma_start3A_139 = tpu.memref_slice %arg6[%dma_start3A_137, %dma_start3A_138] : memref<512x128xf32, #tpu.memory_space<vmem>> -> memref<64x128xf32, #tpu.memory_space<vmem>>
    %dma_start3A_140 = arith.constant 0 : i32
    %dma_start3A_141 = tpu.memref_slice %arg4[%add3A_136, %dma_start3A_140] : memref<16384x128xf32, #tpu.memory_space<hbm>> -> memref<64x128xf32, #tpu.memory_space<hbm>>
    %dma_start3A_142 = arith.constant 0 : i32
    %dma_start3A_143 = tpu.memref_slice %arg4[%add3A_136, %dma_start3A_142] : memref<16384x128xf32, #tpu.memory_space<hbm>> -> memref<64x128xf32, #tpu.memory_space<hbm>>
    %dma_start3A_144 = arith.constant 128 : i32
    %dma_start3A_145 = arith.constant 0 : i32
    %dma_start3A_146 = tpu.memref_slice %arg6[%dma_start3A_144, %dma_start3A_145] : memref<512x128xf32, #tpu.memory_space<vmem>> -> memref<64x128xf32, #tpu.memory_space<vmem>>
    tpu.enqueue_dma source(%dma_start3A_146 : memref<64x128xf32, #tpu.memory_space<vmem>>) target(%dma_start3A_143 : memref<64x128xf32, #tpu.memory_space<hbm>>) target_semaphore(%arg10 : memref<!tpu.dma_semaphore, #tpu.memory_space<semaphore_mem>>)
    %dma_wait3A_147 = arith.constant 192 : i32
    %dma_wait3A_148 = arith.constant 0 : i32
    %dma_wait3A_149 = tpu.memref_slice %arg6[%dma_wait3A_147, %dma_wait3A_148] : memref<512x128xf32, #tpu.memory_space<vmem>> -> memref<64x128xf32, #tpu.memory_space<vmem>>
    %dma_wait3A_150 = arith.constant 192 : i32
    %dma_wait3A_151 = tpu.memref_slice %arg5[%dma_wait3A_150] : memref<512xi32, #tpu.memory_space<vmem>> -> memref<64xi32, #tpu.memory_space<vmem>>
    %dma_wait3A_152 = arith.constant 0 : i32
    %dma_wait3A_153 = arith.constant 0 : i32
    %dma_wait3A_154 = tpu.memref_slice %arg7[%dma_wait3A_152, %dma_wait3A_153] : memref<1001x128xf32, #tpu.memory_space<vmem_shared>> -> memref<1001x128xf32, #tpu.memory_space<vmem_shared>>
    tpu.wait_indirect_dma semaphore(%arg14 : memref<!tpu.dma_semaphore, #tpu.memory_space<semaphore_mem>>) src(%dma_wait3A_154 : memref<1001x128xf32, #tpu.memory_space<vmem_shared>>) dst(%dma_wait3A_149 : memref<64x128xf32, #tpu.memory_space<vmem>>)
    %mul3A_155 = arith.constant 512 : i32
    %mul3A_156 = arith.muli %add3A, %mul3A_155 : i32
    %add3A_157 = arith.constant 192 : i32
    %add3A_158 = arith.addi %mul3A_156, %add3A_157 : i32
    %dma_start3A_159 = arith.constant 192 : i32
    %dma_start3A_160 = arith.constant 0 : i32
    %dma_start3A_161 = tpu.memref_slice %arg6[%dma_start3A_159, %dma_start3A_160] : memref<512x128xf32, #tpu.memory_space<vmem>> -> memref<64x128xf32, #tpu.memory_space<vmem>>
    %dma_start3A_162 = arith.constant 0 : i32
    %dma_start3A_163 = tpu.memref_slice %arg4[%add3A_158, %dma_start3A_162] : memref<16384x128xf32, #tpu.memory_space<hbm>> -> memref<64x128xf32, #tpu.memory_space<hbm>>
    %dma_start3A_164 = arith.constant 0 : i32
    %dma_start3A_165 = tpu.memref_slice %arg4[%add3A_158, %dma_start3A_164] : memref<16384x128xf32, #tpu.memory_space<hbm>> -> memref<64x128xf32, #tpu.memory_space<hbm>>
    %dma_start3A_166 = arith.constant 192 : i32
    %dma_start3A_167 = arith.constant 0 : i32
    %dma_start3A_168 = tpu.memref_slice %arg6[%dma_start3A_166, %dma_start3A_167] : memref<512x128xf32, #tpu.memory_space<vmem>> -> memref<64x128xf32, #tpu.memory_space<vmem>>
    tpu.enqueue_dma source(%dma_start3A_168 : memref<64x128xf32, #tpu.memory_space<vmem>>) target(%dma_start3A_165 : memref<64x128xf32, #tpu.memory_space<hbm>>) target_semaphore(%arg10 : memref<!tpu.dma_semaphore, #tpu.memory_space<semaphore_mem>>)
    %dma_wait3A_169 = arith.constant 256 : i32
    %dma_wait3A_170 = arith.constant 0 : i32
    %dma_wait3A_171 = tpu.memref_slice %arg6[%dma_wait3A_169, %dma_wait3A_170] : memref<512x128xf32, #tpu.memory_space<vmem>> -> memref<64x128xf32, #tpu.memory_space<vmem>>
    %dma_wait3A_172 = arith.constant 256 : i32
    %dma_wait3A_173 = tpu.memref_slice %arg5[%dma_wait3A_172] : memref<512xi32, #tpu.memory_space<vmem>> -> memref<64xi32, #tpu.memory_space<vmem>>
    %dma_wait3A_174 = arith.constant 0 : i32
    %dma_wait3A_175 = arith.constant 0 : i32
    %dma_wait3A_176 = tpu.memref_slice %arg7[%dma_wait3A_174, %dma_wait3A_175] : memref<1001x128xf32, #tpu.memory_space<vmem_shared>> -> memref<1001x128xf32, #tpu.memory_space<vmem_shared>>
    tpu.wait_indirect_dma semaphore(%arg15 : memref<!tpu.dma_semaphore, #tpu.memory_space<semaphore_mem>>) src(%dma_wait3A_176 : memref<1001x128xf32, #tpu.memory_space<vmem_shared>>) dst(%dma_wait3A_171 : memref<64x128xf32, #tpu.memory_space<vmem>>)
    %mul3A_177 = arith.constant 512 : i32
    %mul3A_178 = arith.muli %add3A, %mul3A_177 : i32
    %add3A_179 = arith.constant 256 : i32
    %add3A_180 = arith.addi %mul3A_178, %add3A_179 : i32
    %dma_start3A_181 = arith.constant 256 : i32
    %dma_start3A_182 = arith.constant 0 : i32
    %dma_start3A_183 = tpu.memref_slice %arg6[%dma_start3A_181, %dma_start3A_182] : memref<512x128xf32, #tpu.memory_space<vmem>> -> memref<64x128xf32, #tpu.memory_space<vmem>>
    %dma_start3A_184 = arith.constant 0 : i32
    %dma_start3A_185 = tpu.memref_slice %arg4[%add3A_180, %dma_start3A_184] : memref<16384x128xf32, #tpu.memory_space<hbm>> -> memref<64x128xf32, #tpu.memory_space<hbm>>
    %dma_start3A_186 = arith.constant 0 : i32
    %dma_start3A_187 = tpu.memref_slice %arg4[%add3A_180, %dma_start3A_186] : memref<16384x128xf32, #tpu.memory_space<hbm>> -> memref<64x128xf32, #tpu.memory_space<hbm>>
    %dma_start3A_188 = arith.constant 256 : i32
    %dma_start3A_189 = arith.constant 0 : i32
    %dma_start3A_190 = tpu.memref_slice %arg6[%dma_start3A_188, %dma_start3A_189] : memref<512x128xf32, #tpu.memory_space<vmem>> -> memref<64x128xf32, #tpu.memory_space<vmem>>
    tpu.enqueue_dma source(%dma_start3A_190 : memref<64x128xf32, #tpu.memory_space<vmem>>) target(%dma_start3A_187 : memref<64x128xf32, #tpu.memory_space<hbm>>) target_semaphore(%arg10 : memref<!tpu.dma_semaphore, #tpu.memory_space<semaphore_mem>>)
    %dma_wait3A_191 = arith.constant 320 : i32
    %dma_wait3A_192 = arith.constant 0 : i32
    %dma_wait3A_193 = tpu.memref_slice %arg6[%dma_wait3A_191, %dma_wait3A_192] : memref<512x128xf32, #tpu.memory_space<vmem>> -> memref<64x128xf32, #tpu.memory_space<vmem>>
    %dma_wait3A_194 = arith.constant 320 : i32
    %dma_wait3A_195 = tpu.memref_slice %arg5[%dma_wait3A_194] : memref<512xi32, #tpu.memory_space<vmem>> -> memref<64xi32, #tpu.memory_space<vmem>>
    %dma_wait3A_196 = arith.constant 0 : i32
    %dma_wait3A_197 = arith.constant 0 : i32
    %dma_wait3A_198 = tpu.memref_slice %arg7[%dma_wait3A_196, %dma_wait3A_197] : memref<1001x128xf32, #tpu.memory_space<vmem_shared>> -> memref<1001x128xf32, #tpu.memory_space<vmem_shared>>
    tpu.wait_indirect_dma semaphore(%arg16 : memref<!tpu.dma_semaphore, #tpu.memory_space<semaphore_mem>>) src(%dma_wait3A_198 : memref<1001x128xf32, #tpu.memory_space<vmem_shared>>) dst(%dma_wait3A_193 : memref<64x128xf32, #tpu.memory_space<vmem>>)
    %mul3A_199 = arith.constant 512 : i32
    %mul3A_200 = arith.muli %add3A, %mul3A_199 : i32
    %add3A_201 = arith.constant 320 : i32
    %add3A_202 = arith.addi %mul3A_200, %add3A_201 : i32
    %dma_start3A_203 = arith.constant 320 : i32
    %dma_start3A_204 = arith.constant 0 : i32
    %dma_start3A_205 = tpu.memref_slice %arg6[%dma_start3A_203, %dma_start3A_204] : memref<512x128xf32, #tpu.memory_space<vmem>> -> memref<64x128xf32, #tpu.memory_space<vmem>>
    %dma_start3A_206 = arith.constant 0 : i32
    %dma_start3A_207 = tpu.memref_slice %arg4[%add3A_202, %dma_start3A_206] : memref<16384x128xf32, #tpu.memory_space<hbm>> -> memref<64x128xf32, #tpu.memory_space<hbm>>
    %dma_start3A_208 = arith.constant 0 : i32
    %dma_start3A_209 = tpu.memref_slice %arg4[%add3A_202, %dma_start3A_208] : memref<16384x128xf32, #tpu.memory_space<hbm>> -> memref<64x128xf32, #tpu.memory_space<hbm>>
    %dma_start3A_210 = arith.constant 320 : i32
    %dma_start3A_211 = arith.constant 0 : i32
    %dma_start3A_212 = tpu.memref_slice %arg6[%dma_start3A_210, %dma_start3A_211] : memref<512x128xf32, #tpu.memory_space<vmem>> -> memref<64x128xf32, #tpu.memory_space<vmem>>
    tpu.enqueue_dma source(%dma_start3A_212 : memref<64x128xf32, #tpu.memory_space<vmem>>) target(%dma_start3A_209 : memref<64x128xf32, #tpu.memory_space<hbm>>) target_semaphore(%arg10 : memref<!tpu.dma_semaphore, #tpu.memory_space<semaphore_mem>>)
    %dma_wait3A_213 = arith.constant 384 : i32
    %dma_wait3A_214 = arith.constant 0 : i32
    %dma_wait3A_215 = tpu.memref_slice %arg6[%dma_wait3A_213, %dma_wait3A_214] : memref<512x128xf32, #tpu.memory_space<vmem>> -> memref<64x128xf32, #tpu.memory_space<vmem>>
    %dma_wait3A_216 = arith.constant 384 : i32
    %dma_wait3A_217 = tpu.memref_slice %arg5[%dma_wait3A_216] : memref<512xi32, #tpu.memory_space<vmem>> -> memref<64xi32, #tpu.memory_space<vmem>>
    %dma_wait3A_218 = arith.constant 0 : i32
    %dma_wait3A_219 = arith.constant 0 : i32
    %dma_wait3A_220 = tpu.memref_slice %arg7[%dma_wait3A_218, %dma_wait3A_219] : memref<1001x128xf32, #tpu.memory_space<vmem_shared>> -> memref<1001x128xf32, #tpu.memory_space<vmem_shared>>
    tpu.wait_indirect_dma semaphore(%arg17 : memref<!tpu.dma_semaphore, #tpu.memory_space<semaphore_mem>>) src(%dma_wait3A_220 : memref<1001x128xf32, #tpu.memory_space<vmem_shared>>) dst(%dma_wait3A_215 : memref<64x128xf32, #tpu.memory_space<vmem>>)
    %mul3A_221 = arith.constant 512 : i32
    %mul3A_222 = arith.muli %add3A, %mul3A_221 : i32
    %add3A_223 = arith.constant 384 : i32
    %add3A_224 = arith.addi %mul3A_222, %add3A_223 : i32
    %dma_start3A_225 = arith.constant 384 : i32
    %dma_start3A_226 = arith.constant 0 : i32
    %dma_start3A_227 = tpu.memref_slice %arg6[%dma_start3A_225, %dma_start3A_226] : memref<512x128xf32, #tpu.memory_space<vmem>> -> memref<64x128xf32, #tpu.memory_space<vmem>>
    %dma_start3A_228 = arith.constant 0 : i32
    %dma_start3A_229 = tpu.memref_slice %arg4[%add3A_224, %dma_start3A_228] : memref<16384x128xf32, #tpu.memory_space<hbm>> -> memref<64x128xf32, #tpu.memory_space<hbm>>
    %dma_start3A_230 = arith.constant 0 : i32
    %dma_start3A_231 = tpu.memref_slice %arg4[%add3A_224, %dma_start3A_230] : memref<16384x128xf32, #tpu.memory_space<hbm>> -> memref<64x128xf32, #tpu.memory_space<hbm>>
    %dma_start3A_232 = arith.constant 384 : i32
    %dma_start3A_233 = arith.constant 0 : i32
    %dma_start3A_234 = tpu.memref_slice %arg6[%dma_start3A_232, %dma_start3A_233] : memref<512x128xf32, #tpu.memory_space<vmem>> -> memref<64x128xf32, #tpu.memory_space<vmem>>
    tpu.enqueue_dma source(%dma_start3A_234 : memref<64x128xf32, #tpu.memory_space<vmem>>) target(%dma_start3A_231 : memref<64x128xf32, #tpu.memory_space<hbm>>) target_semaphore(%arg10 : memref<!tpu.dma_semaphore, #tpu.memory_space<semaphore_mem>>)
    %dma_wait3A_235 = arith.constant 448 : i32
    %dma_wait3A_236 = arith.constant 0 : i32
    %dma_wait3A_237 = tpu.memref_slice %arg6[%dma_wait3A_235, %dma_wait3A_236] : memref<512x128xf32, #tpu.memory_space<vmem>> -> memref<64x128xf32, #tpu.memory_space<vmem>>
    %dma_wait3A_238 = arith.constant 448 : i32
    %dma_wait3A_239 = tpu.memref_slice %arg5[%dma_wait3A_238] : memref<512xi32, #tpu.memory_space<vmem>> -> memref<64xi32, #tpu.memory_space<vmem>>
    %dma_wait3A_240 = arith.constant 0 : i32
    %dma_wait3A_241 = arith.constant 0 : i32
    %dma_wait3A_242 = tpu.memref_slice %arg7[%dma_wait3A_240, %dma_wait3A_241] : memref<1001x128xf32, #tpu.memory_space<vmem_shared>> -> memref<1001x128xf32, #tpu.memory_space<vmem_shared>>
    tpu.wait_indirect_dma semaphore(%arg18 : memref<!tpu.dma_semaphore, #tpu.memory_space<semaphore_mem>>) src(%dma_wait3A_242 : memref<1001x128xf32, #tpu.memory_space<vmem_shared>>) dst(%dma_wait3A_237 : memref<64x128xf32, #tpu.memory_space<vmem>>)
    %mul3A_243 = arith.constant 512 : i32
    %mul3A_244 = arith.muli %add3A, %mul3A_243 : i32
    %add3A_245 = arith.constant 448 : i32
    %add3A_246 = arith.addi %mul3A_244, %add3A_245 : i32
    %dma_start3A_247 = arith.constant 448 : i32
    %dma_start3A_248 = arith.constant 0 : i32
    %dma_start3A_249 = tpu.memref_slice %arg6[%dma_start3A_247, %dma_start3A_248] : memref<512x128xf32, #tpu.memory_space<vmem>> -> memref<64x128xf32, #tpu.memory_space<vmem>>
    %dma_start3A_250 = arith.constant 0 : i32
    %dma_start3A_251 = tpu.memref_slice %arg4[%add3A_246, %dma_start3A_250] : memref<16384x128xf32, #tpu.memory_space<hbm>> -> memref<64x128xf32, #tpu.memory_space<hbm>>
    %dma_start3A_252 = arith.constant 0 : i32
    %dma_start3A_253 = tpu.memref_slice %arg4[%add3A_246, %dma_start3A_252] : memref<16384x128xf32, #tpu.memory_space<hbm>> -> memref<64x128xf32, #tpu.memory_space<hbm>>
    %dma_start3A_254 = arith.constant 448 : i32
    %dma_start3A_255 = arith.constant 0 : i32
    %dma_start3A_256 = tpu.memref_slice %arg6[%dma_start3A_254, %dma_start3A_255] : memref<512x128xf32, #tpu.memory_space<vmem>> -> memref<64x128xf32, #tpu.memory_space<vmem>>
    tpu.enqueue_dma source(%dma_start3A_256 : memref<64x128xf32, #tpu.memory_space<vmem>>) target(%dma_start3A_253 : memref<64x128xf32, #tpu.memory_space<hbm>>) target_semaphore(%arg10 : memref<!tpu.dma_semaphore, #tpu.memory_space<semaphore_mem>>)
    %dma_wait3A_257 = arith.constant 0 : i32
    %dma_wait3A_258 = arith.constant 0 : i32
    %dma_wait3A_259 = tpu.memref_slice %arg6[%dma_wait3A_257, %dma_wait3A_258] : memref<512x128xf32, #tpu.memory_space<vmem>> -> memref<64x128xf32, #tpu.memory_space<vmem>>
    %dma_wait3A_260 = arith.constant 0 : i32
    %dma_wait3A_261 = tpu.memref_slice %arg4[%add3A_92, %dma_wait3A_260] : memref<16384x128xf32, #tpu.memory_space<hbm>> -> memref<64x128xf32, #tpu.memory_space<hbm>>
    %dma_wait3A_262 = arith.constant 0 : i32
    %dma_wait3A_263 = tpu.memref_slice %arg4[%add3A_92, %dma_wait3A_262] : memref<16384x128xf32, #tpu.memory_space<hbm>> -> memref<64x128xf32, #tpu.memory_space<hbm>>
    %dma_wait3A_264 = arith.constant 0 : i32
    %dma_wait3A_265 = arith.constant 0 : i32
    %dma_wait3A_266 = tpu.memref_slice %arg6[%dma_wait3A_264, %dma_wait3A_265] : memref<512x128xf32, #tpu.memory_space<vmem>> -> memref<64x128xf32, #tpu.memory_space<vmem>>
    tpu.wait_dma2 semaphore(%arg10 : memref<!tpu.dma_semaphore, #tpu.memory_space<semaphore_mem>>) src(%dma_wait3A_266 : memref<64x128xf32, #tpu.memory_space<vmem>>) dst(%dma_wait3A_263 : memref<64x128xf32, #tpu.memory_space<hbm>>)
    %dma_wait3A_267 = arith.constant 64 : i32
    %dma_wait3A_268 = arith.constant 0 : i32
    %dma_wait3A_269 = tpu.memref_slice %arg6[%dma_wait3A_267, %dma_wait3A_268] : memref<512x128xf32, #tpu.memory_space<vmem>> -> memref<64x128xf32, #tpu.memory_space<vmem>>
    %dma_wait3A_270 = arith.constant 0 : i32
    %dma_wait3A_271 = tpu.memref_slice %arg4[%add3A_114, %dma_wait3A_270] : memref<16384x128xf32, #tpu.memory_space<hbm>> -> memref<64x128xf32, #tpu.memory_space<hbm>>
    %dma_wait3A_272 = arith.constant 0 : i32
    %dma_wait3A_273 = tpu.memref_slice %arg4[%add3A_114, %dma_wait3A_272] : memref<16384x128xf32, #tpu.memory_space<hbm>> -> memref<64x128xf32, #tpu.memory_space<hbm>>
    %dma_wait3A_274 = arith.constant 64 : i32
    %dma_wait3A_275 = arith.constant 0 : i32
    %dma_wait3A_276 = tpu.memref_slice %arg6[%dma_wait3A_274, %dma_wait3A_275] : memref<512x128xf32, #tpu.memory_space<vmem>> -> memref<64x128xf32, #tpu.memory_space<vmem>>
    tpu.wait_dma2 semaphore(%arg10 : memref<!tpu.dma_semaphore, #tpu.memory_space<semaphore_mem>>) src(%dma_wait3A_276 : memref<64x128xf32, #tpu.memory_space<vmem>>) dst(%dma_wait3A_273 : memref<64x128xf32, #tpu.memory_space<hbm>>)
    %dma_wait3A_277 = arith.constant 128 : i32
    %dma_wait3A_278 = arith.constant 0 : i32
    %dma_wait3A_279 = tpu.memref_slice %arg6[%dma_wait3A_277, %dma_wait3A_278] : memref<512x128xf32, #tpu.memory_space<vmem>> -> memref<64x128xf32, #tpu.memory_space<vmem>>
    %dma_wait3A_280 = arith.constant 0 : i32
    %dma_wait3A_281 = tpu.memref_slice %arg4[%add3A_136, %dma_wait3A_280] : memref<16384x128xf32, #tpu.memory_space<hbm>> -> memref<64x128xf32, #tpu.memory_space<hbm>>
    %dma_wait3A_282 = arith.constant 0 : i32
    %dma_wait3A_283 = tpu.memref_slice %arg4[%add3A_136, %dma_wait3A_282] : memref<16384x128xf32, #tpu.memory_space<hbm>> -> memref<64x128xf32, #tpu.memory_space<hbm>>
    %dma_wait3A_284 = arith.constant 128 : i32
    %dma_wait3A_285 = arith.constant 0 : i32
    %dma_wait3A_286 = tpu.memref_slice %arg6[%dma_wait3A_284, %dma_wait3A_285] : memref<512x128xf32, #tpu.memory_space<vmem>> -> memref<64x128xf32, #tpu.memory_space<vmem>>
    tpu.wait_dma2 semaphore(%arg10 : memref<!tpu.dma_semaphore, #tpu.memory_space<semaphore_mem>>) src(%dma_wait3A_286 : memref<64x128xf32, #tpu.memory_space<vmem>>) dst(%dma_wait3A_283 : memref<64x128xf32, #tpu.memory_space<hbm>>)
    %dma_wait3A_287 = arith.constant 192 : i32
    %dma_wait3A_288 = arith.constant 0 : i32
    %dma_wait3A_289 = tpu.memref_slice %arg6[%dma_wait3A_287, %dma_wait3A_288] : memref<512x128xf32, #tpu.memory_space<vmem>> -> memref<64x128xf32, #tpu.memory_space<vmem>>
    %dma_wait3A_290 = arith.constant 0 : i32
    %dma_wait3A_291 = tpu.memref_slice %arg4[%add3A_158, %dma_wait3A_290] : memref<16384x128xf32, #tpu.memory_space<hbm>> -> memref<64x128xf32, #tpu.memory_space<hbm>>
    %dma_wait3A_292 = arith.constant 0 : i32
    %dma_wait3A_293 = tpu.memref_slice %arg4[%add3A_158, %dma_wait3A_292] : memref<16384x128xf32, #tpu.memory_space<hbm>> -> memref<64x128xf32, #tpu.memory_space<hbm>>
    %dma_wait3A_294 = arith.constant 192 : i32
    %dma_wait3A_295 = arith.constant 0 : i32
    %dma_wait3A_296 = tpu.memref_slice %arg6[%dma_wait3A_294, %dma_wait3A_295] : memref<512x128xf32, #tpu.memory_space<vmem>> -> memref<64x128xf32, #tpu.memory_space<vmem>>
    tpu.wait_dma2 semaphore(%arg10 : memref<!tpu.dma_semaphore, #tpu.memory_space<semaphore_mem>>) src(%dma_wait3A_296 : memref<64x128xf32, #tpu.memory_space<vmem>>) dst(%dma_wait3A_293 : memref<64x128xf32, #tpu.memory_space<hbm>>)
    %dma_wait3A_297 = arith.constant 256 : i32
    %dma_wait3A_298 = arith.constant 0 : i32
    %dma_wait3A_299 = tpu.memref_slice %arg6[%dma_wait3A_297, %dma_wait3A_298] : memref<512x128xf32, #tpu.memory_space<vmem>> -> memref<64x128xf32, #tpu.memory_space<vmem>>
    %dma_wait3A_300 = arith.constant 0 : i32
    %dma_wait3A_301 = tpu.memref_slice %arg4[%add3A_180, %dma_wait3A_300] : memref<16384x128xf32, #tpu.memory_space<hbm>> -> memref<64x128xf32, #tpu.memory_space<hbm>>
    %dma_wait3A_302 = arith.constant 0 : i32
    %dma_wait3A_303 = tpu.memref_slice %arg4[%add3A_180, %dma_wait3A_302] : memref<16384x128xf32, #tpu.memory_space<hbm>> -> memref<64x128xf32, #tpu.memory_space<hbm>>
    %dma_wait3A_304 = arith.constant 256 : i32
    %dma_wait3A_305 = arith.constant 0 : i32
    %dma_wait3A_306 = tpu.memref_slice %arg6[%dma_wait3A_304, %dma_wait3A_305] : memref<512x128xf32, #tpu.memory_space<vmem>> -> memref<64x128xf32, #tpu.memory_space<vmem>>
    tpu.wait_dma2 semaphore(%arg10 : memref<!tpu.dma_semaphore, #tpu.memory_space<semaphore_mem>>) src(%dma_wait3A_306 : memref<64x128xf32, #tpu.memory_space<vmem>>) dst(%dma_wait3A_303 : memref<64x128xf32, #tpu.memory_space<hbm>>)
    %dma_wait3A_307 = arith.constant 320 : i32
    %dma_wait3A_308 = arith.constant 0 : i32
    %dma_wait3A_309 = tpu.memref_slice %arg6[%dma_wait3A_307, %dma_wait3A_308] : memref<512x128xf32, #tpu.memory_space<vmem>> -> memref<64x128xf32, #tpu.memory_space<vmem>>
    %dma_wait3A_310 = arith.constant 0 : i32
    %dma_wait3A_311 = tpu.memref_slice %arg4[%add3A_202, %dma_wait3A_310] : memref<16384x128xf32, #tpu.memory_space<hbm>> -> memref<64x128xf32, #tpu.memory_space<hbm>>
    %dma_wait3A_312 = arith.constant 0 : i32
    %dma_wait3A_313 = tpu.memref_slice %arg4[%add3A_202, %dma_wait3A_312] : memref<16384x128xf32, #tpu.memory_space<hbm>> -> memref<64x128xf32, #tpu.memory_space<hbm>>
    %dma_wait3A_314 = arith.constant 320 : i32
    %dma_wait3A_315 = arith.constant 0 : i32
    %dma_wait3A_316 = tpu.memref_slice %arg6[%dma_wait3A_314, %dma_wait3A_315] : memref<512x128xf32, #tpu.memory_space<vmem>> -> memref<64x128xf32, #tpu.memory_space<vmem>>
    tpu.wait_dma2 semaphore(%arg10 : memref<!tpu.dma_semaphore, #tpu.memory_space<semaphore_mem>>) src(%dma_wait3A_316 : memref<64x128xf32, #tpu.memory_space<vmem>>) dst(%dma_wait3A_313 : memref<64x128xf32, #tpu.memory_space<hbm>>)
    %dma_wait3A_317 = arith.constant 384 : i32
    %dma_wait3A_318 = arith.constant 0 : i32
    %dma_wait3A_319 = tpu.memref_slice %arg6[%dma_wait3A_317, %dma_wait3A_318] : memref<512x128xf32, #tpu.memory_space<vmem>> -> memref<64x128xf32, #tpu.memory_space<vmem>>
    %dma_wait3A_320 = arith.constant 0 : i32
    %dma_wait3A_321 = tpu.memref_slice %arg4[%add3A_224, %dma_wait3A_320] : memref<16384x128xf32, #tpu.memory_space<hbm>> -> memref<64x128xf32, #tpu.memory_space<hbm>>
    %dma_wait3A_322 = arith.constant 0 : i32
    %dma_wait3A_323 = tpu.memref_slice %arg4[%add3A_224, %dma_wait3A_322] : memref<16384x128xf32, #tpu.memory_space<hbm>> -> memref<64x128xf32, #tpu.memory_space<hbm>>
    %dma_wait3A_324 = arith.constant 384 : i32
    %dma_wait3A_325 = arith.constant 0 : i32
    %dma_wait3A_326 = tpu.memref_slice %arg6[%dma_wait3A_324, %dma_wait3A_325] : memref<512x128xf32, #tpu.memory_space<vmem>> -> memref<64x128xf32, #tpu.memory_space<vmem>>
    tpu.wait_dma2 semaphore(%arg10 : memref<!tpu.dma_semaphore, #tpu.memory_space<semaphore_mem>>) src(%dma_wait3A_326 : memref<64x128xf32, #tpu.memory_space<vmem>>) dst(%dma_wait3A_323 : memref<64x128xf32, #tpu.memory_space<hbm>>)
    %dma_wait3A_327 = arith.constant 448 : i32
    %dma_wait3A_328 = arith.constant 0 : i32
    %dma_wait3A_329 = tpu.memref_slice %arg6[%dma_wait3A_327, %dma_wait3A_328] : memref<512x128xf32, #tpu.memory_space<vmem>> -> memref<64x128xf32, #tpu.memory_space<vmem>>
    %dma_wait3A_330 = arith.constant 0 : i32
    %dma_wait3A_331 = tpu.memref_slice %arg4[%add3A_246, %dma_wait3A_330] : memref<16384x128xf32, #tpu.memory_space<hbm>> -> memref<64x128xf32, #tpu.memory_space<hbm>>
    %dma_wait3A_332 = arith.constant 0 : i32
    %dma_wait3A_333 = tpu.memref_slice %arg4[%add3A_246, %dma_wait3A_332] : memref<16384x128xf32, #tpu.memory_space<hbm>> -> memref<64x128xf32, #tpu.memory_space<hbm>>
    %dma_wait3A_334 = arith.constant 448 : i32
    %dma_wait3A_335 = arith.constant 0 : i32
    %dma_wait3A_336 = tpu.memref_slice %arg6[%dma_wait3A_334, %dma_wait3A_335] : memref<512x128xf32, #tpu.memory_space<vmem>> -> memref<64x128xf32, #tpu.memory_space<vmem>>
    tpu.wait_dma2 semaphore(%arg10 : memref<!tpu.dma_semaphore, #tpu.memory_space<semaphore_mem>>) src(%dma_wait3A_336 : memref<64x128xf32, #tpu.memory_space<vmem>>) dst(%dma_wait3A_333 : memref<64x128xf32, #tpu.memory_space<hbm>>)
    return
  }
}

</mosaic_0001>

<sc_bundles>
// kernel: kernel.3.cloned.1.call-start
scs
__scs_entry_jumppad:
0x0: {  	(pc) =	sbr.rel $0x88, $3  }
0x1: {  	(tag) =	ssettag $0x0;
	lr =	simm.s32 $0x1  }
0x2: {  	[smem:$0x3F9F] =	sst lr;
	_ =	strace $0xD0000000  }
0x3: {  	_ = 	snop  }
0x4: {  	_ = 	snop  }
0x5: {  	_ = 	snop  }
0x6: {  	_ = 	snop  }
0x7: {  	_ = 	snop  }
__scs_overlays_trampoline_lowered:
0x8: {  	[smem:$0x3FAE] =	sst s0  }
0x9: {  	[smem:$0x3FAF] =	sst s1  }
0xa: {  	[smem:$0x3FB0] =	sst s2  }
0xb: {  	[smem:$0x3FB1] =	sst s3  }
0xc: {  	[smem:$0x3FB2] =	sst s4  }
0xd: {  	[smem:$0x3FB3] =	sst s5  }
0xe: {  	[smem:$0x3FB4] =	sst s6  }
0xf: {  	[smem:$0x3FB5] =	sst s7  }
0x10: {  	[smem:$0x3FB6] =	sst s8  }
0x11: {  	[smem:$0x3FB7] =	sst s9;
	s0 =	simm.s32 @!p0 $0x0  }
0x12: {  	s1 =	sld [smem:$0x3F9D];
	s0 =	simm.s32 @p0 $0x1  }
0x13: {  	[smem:$0x3FB8] =	sst s0;
	s0 =	simm.s32 @!p1 $0x0  }
0x14: {  	s2 =	sld [smem:$0x3F9C];
	s0 =	simm.s32 @p1 $0x1  }
0x15: {  	[smem:$0x3FB9] =	sst s0;
	s0 =	simm.s32 @!p2 $0x0  }
0x16: {  	s3 =	sld [smem:$0x3FDB];
	s0 =	simm.s32 @p2 $0x1  }
0x17: {  	s4 =	simm.s32 $0x1BF5;
	[smem:$0x3FBB] =	sst s0  }
0x18: {  	s0 =	sld [smem:$0x3F9E];
	_ =	swait.ge [sflag:s4], $0x0  }
0x19: {  	s7 =	sld [smem:$0x3F9F]  }
0x1a: {  	s8 =	sadd.s32 $0xFFFFE003, lr  }
0x1b: {  	s9 =	sadd.s32 $0xFFFFFEF7, lr;
	s5 =	simm.s32 $0xFFFFFFFF;
	p2 =	slt.u32 s8, $0xFFFFF086  }
0x1c: {  	p1 =	slt.u32 s9, $0xF7A;
	s5 =	simm.s32 @!p2 $0x0  }
0x1d: {  	s5 =	simm.s32 @p1 $0x1;
	p0 =	seq.s32 s7, s2  }
0x1e: {  	s7 =	smul.u32 @!p0 $0xF7A, s2;
	p2 =	seq.s32 @!p0 s5, $0x0  }
0x1f: {  	s9 =	smul.u32 $0xF7A, s1;
	s8 =	simm.s32 @!p0 $0x1BF5;
	p2 =	por !p2, p0  }
0x20: {  	[sflag:s8] =	ssyncset.s32 @!p0 $0xFFFFF086;
	s6 =	sadd.s32 @!p0 s3, s7;
	s7 =	simm.s32 @!p0 $0x108  }
0x21: {  	s3 =	sadd.s32 s3, s9;
	s6 =	sadd.s32 @!p0 $0x88, s6;
	s7 =	simm.s32 @p2 $0x1082  }
0x22: {  	[simem:s7], [sflag:s8] =	dma.local @!p0 [hbm:s6], $0xF7A  }
0x23: {  	s9 =	sor.u32 $0xD0000000, s2;
	s6 =	simm.s32 $0x108;
	_ =	swait.ge @!p0 [sflag:s8], $0x0  }
0x24: {  	s3 =	sadd.s32 $0x88, s3;
	s6 =	simm.s32 @!p1 $0x1082;
	[sflag:s4] =	ssyncset.s32 $0xFFFFF086  }
0x25: {  	[simem:s6], [sflag:s4] =	dma.local [hbm:s3], $0xF7A  }
0x26: {  	[smem:$0x3F9F] =	sst s1;
	(tag) =	ssettag s2;
	_ =	strace s9  }
0x27: {  	s1 =	sld [smem:$0x3FAF]  }
0x28: {  	s2 =	sld [smem:$0x3FB0]  }
0x29: {  	s4 =	sld [smem:$0x3FB2]  }
0x2a: {  	p0 =	seq.s32 s5, $0x0;
	s5 =	sld [smem:$0x3FB3]  }
0x2b: {  	s6 =	sld [smem:$0x3FB4]  }
0x2c: {  	s7 =	sld [smem:$0x3FB5]  }
0x2d: {  	s3 =	simm.s32 $0x108;
	s8 =	sld [smem:$0x3FB6]  }
0x2e: {  	s3 =	simm.s32 @!p0 $0x1082;
	s9 =	sld [smem:$0x3FB7]  }
0x2f: {  	lr =	sadd.s32 s0, s3;
	s0 =	sld [smem:$0x3FAE]  }
0x30: {  	s3 =	sld [smem:$0x3FB1]  }
0x31: {  	[smem:$0x3FBA] =	sst s10  }
0x32: {  	s10 =	sld [smem:$0x3FB8];
	_ =	sdelay $0x3  }
0x33: {  	p0 =	seq.s32 s10, $0x1;
	s10 =	sld [smem:$0x3FBA];
	_ =	sdelay $0x3  }
0x34: {  	[smem:$0x3FBA] =	sst s10  }
0x35: {  	s10 =	sld [smem:$0x3FB9];
	_ =	sdelay $0x3  }
0x36: {  	p1 =	seq.s32 s10, $0x1;
	s10 =	sld [smem:$0x3FBA];
	_ =	sdelay $0x3  }
0x37: {  	[smem:$0x3FBA] =	sst s10  }
0x38: {  	s10 =	sld [smem:$0x3FBB]  }
0x39: {  	_ = 	snop;
	(pc) =	sbr.ind lr, $3  }
0x3a: {  	_ = 	snop  }
0x3b: {  	_ = 	snop  }
0x3c: {  	p2 =	seq.s32 s10, $0x1;
	s10 =	sld [smem:$0x3FBA]  }
0x3d: {  	_ =	shalt  }
0x3e: {  	_ =	shalt  }
0x3f: {  	_ =	shalt  }
0x40: {  	_ =	shalt  }
0x41: {  	_ =	shalt  }
0x42: {  	_ =	shalt  }
0x43: {  	_ =	shalt  }
0x44: {  	_ =	shalt  }
0x45: {  	_ =	shalt  }
0x46: {  	_ =	shalt  }
0x47: {  	_ =	shalt  }
0x48: {  	_ =	shalt  }
0x49: {  	_ =	shalt  }
0x4a: {  	_ =	shalt  }
0x4b: {  	_ =	shalt  }
0x4c: {  	_ =	shalt  }
0x4d: {  	_ =	shalt  }
0x4e: {  	_ =	shalt  }
0x4f: {  	_ =	shalt  }
0x50: {  	_ =	shalt  }
0x51: {  	_ =	shalt  }
0x52: {  	_ =	shalt  }
0x53: {  	_ =	shalt  }
0x54: {  	_ =	shalt  }
0x55: {  	_ =	shalt  }
0x56: {  	_ =	shalt  }
0x57: {  	_ =	shalt  }
0x58: {  	_ =	shalt  }
0x59: {  	_ =	shalt  }
0x5a: {  	_ =	shalt  }
0x5b: {  	_ =	shalt  }
0x5c: {  	_ =	shalt  }
0x5d: {  	_ =	shalt  }
0x5e: {  	_ =	shalt  }
0x5f: {  	_ =	shalt  }
0x60: {  	_ =	shalt  }
0x61: {  	_ =	shalt  }
0x62: {  	_ =	shalt  }
0x63: {  	_ =	shalt  }
0x64: {  	_ =	shalt  }
0x65: {  	_ =	shalt  }
0x66: {  	_ =	shalt  }
0x67: {  	_ =	shalt  }
0x68: {  	_ =	shalt  }
0x69: {  	_ =	shalt  }
0x6a: {  	_ =	shalt  }
0x6b: {  	_ =	shalt  }
0x6c: {  	_ =	shalt  }
0x6d: {  	_ =	shalt  }
0x6e: {  	_ =	shalt  }
0x6f: {  	_ =	shalt  }
0x70: {  	_ =	shalt  }
0x71: {  	_ =	shalt  }
0x72: {  	_ =	shalt  }
0x73: {  	_ =	shalt  }
0x74: {  	_ =	shalt  }
0x75: {  	_ =	shalt  }
0x76: {  	_ =	shalt  }
0x77: {  	_ =	shalt  }
0x78: {  	_ =	shalt  }
0x79: {  	_ =	shalt  }
0x7a: {  	_ =	shalt  }
0x7b: {  	_ =	shalt  }
0x7c: {  	_ =	shalt  }
0x7d: {  	_ =	shalt  }
0x7e: {  	_ =	shalt  }
0x7f: {  	_ =	shalt  }
0x80: {  	_ =	shalt  }
0x81: {  	_ =	shalt  }
0x82: {  	_ =	shalt  }
0x83: {  	_ =	shalt  }
0x84: {  	_ =	shalt  }
0x85: {  	_ =	shalt  }
0x86: {  	_ =	shalt  }
0x87: {  	_ =	shalt  }
.Lfunc_end0:
.L_simem_size_0:
called_computation_lowered:
.L_overlay_start_0:
0x88: {  	s2 =	sld [smem:$0x3FD9]  }
0x89: {  	s3 =	sld [smem:$0x3FFE];
	_ =	sdelay $0x1  }
0x8a: {  	s1 =	srdreg.scid  }
0x8b: {  	s0 =	sand.u32 $0x1, s1  }
0x8c: {  	s18 =	sshll.u32 s0, $0xA;
	s2 =	sadd.s32 s3, s2  }
0x8d: {  	s2 =	sadd.s32 s2, s18  }
0x8e: {  	[smem:$0x3FC6] =	sst s2  }
0x8f: {  	_ = 	snop  }
0x90: {  	s2 =	sld [smem:$0x3FC9]  }
0x91: {  	s19 =	sld [smem:$0x3FC8]  }
0x92: {  	s4 =	sld [smem:$0x3FD0];
	(tm) =	ssettm $0x1  }
0x93: {  	s5 =	sld [smem:$0x3FFB];
	_ =	sdelay $0x3  }
0x94: {  	_ =	strace s5  }
0x95: {  	s5 =	sld [smem:$0x3FFC];
	_ =	sdelay $0x3  }
0x96: {  	_ =	strace s5  }
0x97: {  	s5 =	sld [smem:$0x3FFD];
	_ =	sdelay $0x3  }
0x98: {  	_ =	strace s5  }
0x99: {  	_ =	strace $0x8FFFFFFF  }
0x9a: {  	s20 =	sld [smem:$0x3FDB];
	_ =	sdelay $0x1  }
0x9b: {  	s6 =	simm.s32 $_scs_section_size  }
0x9c: {  	s7 =	simm.s32 $_size__tile_overlayer_lowered;
	s8 =	simm.s32 $_tile_overlayer_lowered  }
0x9d: {  	s23 =	simm.s32 $0x1BFF;
	s22 =	sshll.u32 s8, $0x1;
	s5 =	sadd.s32 s6, s20  }
0x9e: {  	s9 =	simm.s32 $0x0;
	s21 =	sshll.u32 s7, $0x1;
	s7 =	sadd.s32 s22, s5  }
0x9f: {  	[timem:s9], [sflag:s23] =	dma.local [hbm:s7], s21  }
0xa0: {  	_ =	swait.ge [sflag:s23], s21  }
0xa1: {  	s6 =	ssub.s32 $0x0, s21;
	[sflag:s23] =	ssyncset.done $0x0  }
0xa2: {  	[sflag:s23] =	ssyncadd.s32 s6;
	_ =	sdelay $0x1  }
0xa3: {  	s24 =	simm.s32 $0x1B8B  }
0xa4: {  	_ =	swait.ge [sflag:s24], $0x1  }
0xa5: {  	[sflag:s24] =	ssyncset.done $0x0  }
0xa6: {  	s25 =	simm.s32 $0x1B8E;
	[sflag:s24] =	ssyncadd.s32 $0xFFFFFFFF  }
0xa7: {  	s26 =	simm.s32 $execute0_lowered;
	[smem:$0x3FD2] =	sst s25  }
0xa8: {  	s6 =	sshll.u32 s26, $0x1;
	_ =	strace $0x80000046;
	[dreg:$0x1] =	wrdreg $0xFFFFFFFF  }
0xa9: {  	s28 =	simm.s32 $_size_execute0_lowered;
	s5 =	sadd.s32 s5, s6;
	[dreg:$0x0] =	wrdreg $0x0  }
0xaa: {  	s6 =	sshll.u32 s28, $0x1;
	[dreg:$0x2] =	wrdreg s5  }
0xab: {  	[dreg:$0x3] =	wrdreg s6  }
0xac: {  	[dreg:$0x4] =	wrdreg $0xC0  }
0xad: {  	_ =	task [dreg:s9], $0x5FFFF  }
0xae: {  	[dreg:$0x1] =	wrdreg $0xFFFFFFFF  }
0xaf: {  	[dreg:$0x0] =	wrdreg $0x60  }
0xb0: {  	[dreg:$0x2] =	wrdreg s2  }
0xb1: {  	[dreg:$0x3] =	wrdreg s19  }
0xb2: {  	[dreg:$0x4] =	wrdreg s4  }
0xb3: {  	[dreg:$0x5] =	wrdreg $0x102000  }
0xb4: {  	[dreg:$0x6] =	wrdreg $0x9  }
0xb5: {  	_ =	task.clear_ibuf [dreg:s9], $0x7FFFF;
	_ =	strace $0x90000046  }
0xb6: {  	s29 =	simm.s32 $0x9;
	_ =	strace $0x80000048  }
0xb7: {  	_ =	swait.ge [sflag:s29], $0x1  }
0xb8: {  	[sflag:s29] =	ssyncadd.s32 $0xFFFFFFFF  }
0xb9: {  	_ =	strace $0x90000048  }
0xba: {  	_ =	sfence  }
0xbb: {  	s30 =	sld [smem:$0x0];
	_ =	sdelay $0x2  }
0xbc: {  	s31 =	sshll.u32 s1, $0xD;
	s1 =	sshrl.u32 s1, $0x2  }
0xbd: {  	s3 =	sand.u32 $0x4000, s31;
	s1 =	sadd.s32 s1, s30  }
0xbe: {  	s0 =	sor.u32 s3, s0;
	s1 =	sshll.u32 s1, $0x11  }
0xbf: {  	s0 =	sor.u32 s1, s0  }
0xc0: {  	s0 =	sadd.s32 $0x8F2B, s0  }
0xc1: {  	[sflag:s0] =	ssyncadd.remote.s32 $0x1  }
0xc2: {  	_ =	sfence.sel $0xFFFF  }
0xc3: {  	[dreg:$0x0] =	wrdreg $0xFFFFFFFF;
	(pc) =	sbr.abs _section_cstart, $3  }
0xc4: {  	[dreg:$0x1] =	wrdreg $0xFFFFFFFF  }
0xc5: {  	_ =	task.clear_ibuf [dreg:s9], $0x2FFFF;
	_ =	strace $0x9FFFFFFF  }
0xc6: {  	(tm) =	ssettm $0x7FFFFFFF  }
0xc7: {  	_ =	shalt  }
tec
execute0_lowered:
.L_overlay_start_1:
0x0: {  	(tag) =	ssettag $0x1  }
0x1: {  	s5 =	rddreg [dreg:$0x0]  }
0x2: {  	s2 =	rddreg [dreg:$0x1]  }
0x3: {  	s6 =	rddreg [dreg:$0x2]  }
0x4: {  	s3 =	rddreg [dreg:$0x3]  }
0x5: {  	s1 =	stileid.u32;
	s4 =	simm.s32 $0x0;
	s0 =	srdreg.scid  }
0x6: {  	s7 =	sshll.u32 s1, $0x6;
	p0 =	seq.s32 s1, $0xF;
	[smem:$0x7FF] =	sst s4  }
0x7: {  	s0 =	sand.u32 $0x1, s0;
	s10 =	sshll.u32 s1, $0xA;
	s1 =	simm.s32 $0x80  }
0x8: {  	s8 =	sor.u32 $0x1C01, s7;
	s7 =	simm.s32 @p0 $0x3A8;
	s11 =	sshll.u32 s0, $0x9  }
0x9: {  	_ =	strace $0x80000047;
	[dreg:$0x10] =	wrdreg s1;
	s9 =	sshll.u32 s7, $0x4  }
0xa: {  	s10 =	sor.u32 s11, s10;
	[dreg:$0x6] =	wrdreg s8;
	s7 =	sshll.u32 s7, $0x7  }
0xb: {  	s9 =	sadd.s32 s2, s9;
	s16 =	sshrl.u32 s10, $0x3;
	s24 =	rddreg [dreg:$0x6]  }
0xc: {  	s7 =	sadd.s32 s7, s3;
	[dreg:$0x5] =	wrdreg s9;
	s17 =	sadd.s32 s5, s16  }
0xd: {  	s10 =	sshll.u32 s10, $0x4;
	s23 =	sshrl.u32 s7, $0x3;
	[dreg:$0x7] =	wrdreg s17  }
0xe: {  	s5 =	sadd.s32 s6, s10;
	[dreg:$0xf] =	wrdreg s23  }
0xf: {  	s6 =	sadd.s32 $0x400, s5;
	s26 =	rddreg [dreg:$0x5]  }
0x10: {  	s18 =	sadd.s32 $0x800, s5;
	[dreg:$0x8] =	wrdreg s6  }
0x11: {  	s19 =	sadd.s32 $0xC00, s5;
	[dreg:$0x9] =	wrdreg s18  }
0x12: {  	s20 =	sadd.s32 $0x1000, s5;
	[dreg:$0xa] =	wrdreg s19  }
0x13: {  	s21 =	sadd.s32 $0x1400, s5;
	[dreg:$0xb] =	wrdreg s20  }
0x14: {  	s22 =	sadd.s32 $0x1800, s5;
	[dreg:$0xc] =	wrdreg s21  }
0x15: {  	[dreg:$0xd] =	wrdreg s22  }
0x16: {  	s25 =	sadd.s32 $0x1C00, s5;
	s6 =	rddreg [dreg:$0xf]  }
0x17: {  	[dreg:$0xe] =	wrdreg s25  }
0x18: {  	[spmem:s6], [sflag:s24] =	dma.local [hbm:s26], $0x400  }
0x19: {  	s6 =	simm.s32 $0x2;
	s7 =	rddreg [dreg:$0x7]  }
0x1a: {  	[tilespmem:s4], [sflag:$0x2] =	stream.linear.gather [hbm4b:s7+s4], $0x200, $0x38;
	[tilespmem:$0x12148] =	vst v63  }
0x1b: {  	_ =	swait.ge [sflag:s6], $0x200  }
0x1c: {  	s8 =	simm.s32 $0x200;
	[sflag:s6] =	ssyncset.done $0x0  }
0x1d: {  	s9 =	simm.s32 $0x1;
	s7 =	simm.s32 $0x40;
	[sflag:s6] =	ssyncadd.s32 $0xFFFFFE00  }
0x1e: {  	[tilespmem:s8], [sflag:$0x4] =	stream.indirect.gather [hbm4b:s2+s7], $0x80, s4, s7, $0xb8;
	[tilespmem:$0x12148] =	vst v63  }
0x1f: {  	_ =	swait.ge [sflag:s9], $0x400  }
0x20: {  	[sflag:s9] =	ssyncset.done $0x0  }
0x21: {  	[sflag:s9] =	ssyncadd.s32 $0xFFFFFC00  }
0x22: {  	s10 =	simm.s32 $0x2200;
	[bflag:$0x0] =	sbarrier.arrive $0xFFFF  }
0x23: {  	[tilespmem:s10], [sflag:$0x5] =	stream.indirect.gather [spmem:s3], $0x80, s7, s7, $0xb8;
	[tilespmem:$0x12148] =	vst v63  }
0x24: {  	s11 =	simm.s32 $0x4200;
	s12 =	rddreg [dreg:$0x10]  }
0x25: {  	[tilespmem:s11], [sflag:$0x6] =	stream.indirect.gather [spmem:s3], $0x80, s12, s7, $0xb8;
	[tilespmem:$0x12148] =	vst v63  }
0x26: {  	s13 =	simm.s32 $0x6200;
	s2 =	simm.s32 $0xC0  }
0x27: {  	[tilespmem:s13], [sflag:$0x7] =	stream.indirect.gather [spmem:s3], $0x80, s2, s7, $0xb8;
	[tilespmem:$0x12148] =	vst v63  }
0x28: {  	s14 =	simm.s32 $0x100;
	s15 =	simm.s32 $0x8200  }
0x29: {  	[tilespmem:s15], [sflag:$0x8] =	stream.indirect.gather [spmem:s3], $0x80, s14, s7, $0xb8;
	[tilespmem:$0x12148] =	vst v63  }
0x2a: {  	s16 =	simm.s32 $0x140;
	s17 =	simm.s32 $0xA200  }
0x2b: {  	[tilespmem:s17], [sflag:$0x9] =	stream.indirect.gather [spmem:s3], $0x80, s16, s7, $0xb8;
	[tilespmem:$0x12148] =	vst v63  }
0x2c: {  	s18 =	simm.s32 $0x180;
	s19 =	simm.s32 $0xC200  }
0x2d: {  	[tilespmem:s19], [sflag:$0xA] =	stream.indirect.gather [spmem:s3], $0x80, s18, s7, $0xb8;
	[tilespmem:$0x12148] =	vst v63  }
0x2e: {  	s20 =	simm.s32 $0x1C0;
	s21 =	simm.s32 $0xE200;
	s22 =	simm.s32 $0x4  }
0x2f: {  	[tilespmem:s21], [sflag:$0xB] =	stream.indirect.gather [spmem:s3], $0x80, s20, s7, $0xb8;
	[tilespmem:$0x12148] =	vst v63  }
0x30: {  	_ =	swait.ge [sflag:s22], $0x2000  }
0x31: {  	[sflag:s22] =	ssyncset.done $0x0  }
0x32: {  	s23 =	simm.s32 $0x5;
	[sflag:s22] =	ssyncadd.s32 $0xFFFFE000  }
0x33: {  	[hbm4b:s5+s4] =	stream.linear.scatter [tilespmem:s8], [sflag:$0x3], $0x2000, $0x38;
	[tilespmem:$0x12148] =	vst v63  }
0x34: {  	_ =	swait.ge [sflag:s23], $0x2000  }
0x35: {  	[sflag:s23] =	ssyncset.done $0x0  }
0x36: {  	s24 =	rddreg [dreg:$0x8];
	[sflag:s23] =	ssyncadd.s32 $0xFFFFE000  }
0x37: {  	[hbm4b:s24+s4] =	stream.linear.scatter [tilespmem:s10], [sflag:$0x3], $0x2000, $0x38;
	[tilespmem:$0x12148] =	vst v63  }
0x38: {  	s24 =	simm.s32 $0x6  }
0x39: {  	_ =	swait.ge [sflag:s24], $0x2000  }
0x3a: {  	[sflag:s24] =	ssyncset.done $0x0  }
0x3b: {  	s25 =	rddreg [dreg:$0x9];
	[sflag:s24] =	ssyncadd.s32 $0xFFFFE000  }
0x3c: {  	[hbm4b:s25+s4] =	stream.linear.scatter [tilespmem:s11], [sflag:$0x3], $0x2000, $0x38;
	[tilespmem:$0x12148] =	vst v63  }
0x3d: {  	s25 =	simm.s32 $0x7  }
0x3e: {  	_ =	swait.ge [sflag:s25], $0x2000  }
0x3f: {  	[sflag:s25] =	ssyncset.done $0x0  }
0x40: {  	s26 =	rddreg [dreg:$0xa];
	[sflag:s25] =	ssyncadd.s32 $0xFFFFE000  }
0x41: {  	[hbm4b:s26+s4] =	stream.linear.scatter [tilespmem:s13], [sflag:$0x3], $0x2000, $0x38;
	[tilespmem:$0x12148] =	vst v63  }
0x42: {  	s26 =	simm.s32 $0x8  }
0x43: {  	_ =	swait.ge [sflag:s26], $0x2000  }
0x44: {  	[sflag:s26] =	ssyncset.done $0x0  }
0x45: {  	s28 =	rddreg [dreg:$0xb];
	[sflag:s26] =	ssyncadd.s32 $0xFFFFE000  }
0x46: {  	[hbm4b:s28+s4] =	stream.linear.scatter [tilespmem:s15], [sflag:$0x3], $0x2000, $0x38;
	[tilespmem:$0x12148] =	vst v63  }
0x47: {  	s28 =	simm.s32 $0x9  }
0x48: {  	_ =	swait.ge [sflag:s28], $0x2000  }
0x49: {  	[sflag:s28] =	ssyncset.done $0x0  }
0x4a: {  	s29 =	rddreg [dreg:$0xc];
	[sflag:s28] =	ssyncadd.s32 $0xFFFFE000  }
0x4b: {  	[hbm4b:s29+s4] =	stream.linear.scatter [tilespmem:s17], [sflag:$0x3], $0x2000, $0x38;
	[tilespmem:$0x12148] =	vst v63  }
0x4c: {  	s29 =	simm.s32 $0xA  }
0x4d: {  	_ =	swait.ge [sflag:s29], $0x2000  }
0x4e: {  	[sflag:s29] =	ssyncset.done $0x0  }
0x4f: {  	s30 =	rddreg [dreg:$0xd];
	[sflag:s29] =	ssyncadd.s32 $0xFFFFE000  }
0x50: {  	[hbm4b:s30+s4] =	stream.linear.scatter [tilespmem:s19], [sflag:$0x3], $0x2000, $0x38;
	[tilespmem:$0x12148] =	vst v63  }
0x51: {  	s30 =	simm.s32 $0xB  }
0x52: {  	_ =	swait.ge [sflag:s30], $0x2000  }
0x53: {  	[sflag:s30] =	ssyncset.done $0x0  }
0x54: {  	s31 =	rddreg [dreg:$0xe];
	[sflag:s30] =	ssyncadd.s32 $0xFFFFE000  }
0x55: {  	[hbm4b:s31+s4] =	stream.linear.scatter [tilespmem:s21], [sflag:$0x3], $0x2000, $0x38;
	[tilespmem:$0x12148] =	vst v63  }
0x56: {  	s31 =	simm.s32 $0x3  }
0x57: {  	_ =	swait.ge [sflag:s31], $0x2000  }
0x58: {  	[sflag:s31] =	ssyncset.done $0x0  }
0x59: {  	[sflag:s31] =	ssyncadd.s32 $0xFFFFE000  }
0x5a: {  	_ =	swait.ge [sflag:s31], $0x2000  }
0x5b: {  	[sflag:s31] =	ssyncset.done $0x0  }
0x5c: {  	[sflag:s31] =	ssyncadd.s32 $0xFFFFE000  }
0x5d: {  	_ =	swait.ge [sflag:s31], $0x2000  }
0x5e: {  	[sflag:s31] =	ssyncset.done $0x0  }
0x5f: {  	[sflag:s31] =	ssyncadd.s32 $0xFFFFE000  }
0x60: {  	_ =	swait.ge [sflag:s31], $0x2000  }
0x61: {  	[sflag:s31] =	ssyncset.done $0x0  }
0x62: {  	[sflag:s31] =	ssyncadd.s32 $0xFFFFE000  }
0x63: {  	s0 =	ssub.s32 $0x2, s0;
	_ =	swait.ge [sflag:s31], $0x2000  }
0x64: {  	s12 =	sshrl.u32 s0, $0x1;
	[sflag:s31] =	ssyncset.done $0x0  }
0x65: {  	s0 =	ssub.s32 s0, s12;
	[sflag:s31] =	ssyncadd.s32 $0xFFFFE000  }
0x66: {  	s0 =	smax.u32 s0, $0x1;
	_ =	swait.ge [sflag:s31], $0x2000  }
0x67: {  	p0 =	sne.s32 s0, $0x1;
	[sflag:s31] =	ssyncset.done $0x0  }
.Ltmp0:
0x68: {  	[sflag:s31] =	ssyncadd.s32 $0xFFFFE000;
	(pc) =	sbr.rel @!p0 .LBB2_2-.Ltmp0, $4  }
0x69: {  	_ =	swait.ge [sflag:s31], $0x2000  }
0x6a: {  	[sflag:s31] =	ssyncset.done $0x0  }
0x6b: {  	[sflag:s31] =	ssyncadd.s32 $0xFFFFE000  }
0x6c: {  	s0 =	sadd.s32 $0xFFFFFFFF, s0;
	_ =	swait.ge [sflag:s31], $0x2000  }
.LBB2_1:
0x6d: {  	s1 =	rddreg [dreg:$0xf]  }
0x6e: {  	[sflag:s31] =	ssyncset.done $0x0;
	s2 =	rddreg [dreg:$0x6]  }
0x6f: {  	s12 =	rddreg [dreg:$0x5];
	[sflag:s31] =	ssyncadd.s32 $0xFFFFE000  }
0x70: {  	[spmem:s1], [sflag:s2] =	dma.local [hbm:s12], $0x400  }
0x71: {  	s1 =	rddreg [dreg:$0x7]  }
0x72: {  	[tilespmem:s4], [sflag:$0x2] =	stream.linear.gather [hbm4b:s1+s4], $0x200, $0x38;
	[tilespmem:$0x12148] =	vst v63  }
0x73: {  	_ =	swait.ge [sflag:s6], $0x200  }
0x74: {  	[sflag:s6] =	ssyncset.done $0x0  }
0x75: {  	[sflag:s6] =	ssyncadd.s32 $0xFFFFFE00  }
0x76: {  	s2 =	rddreg [dreg:$0x1]  }
0x77: {  	[tilespmem:s8], [sflag:$0x4] =	stream.indirect.gather [hbm4b:s2+s7], $0x80, s4, s7, $0xb8;
	[tilespmem:$0x12148] =	vst v63  }
0x78: {  	_ =	swait.ge [sflag:s9], $0x400  }
0x79: {  	[sflag:s9] =	ssyncset.done $0x0  }
0x7a: {  	[sflag:s9] =	ssyncadd.s32 $0xFFFFFC00  }
0x7b: {  	[bflag:$0x0] =	sbarrier.arrive $0xFFFF  }
0x7c: {  	[tilespmem:s10], [sflag:$0x5] =	stream.indirect.gather [spmem:s3], $0x80, s7, s7, $0xb8;
	[tilespmem:$0x12148] =	vst v63  }
0x7d: {  	s12 =	rddreg [dreg:$0x10]  }
0x7e: {  	[tilespmem:s11], [sflag:$0x6] =	stream.indirect.gather [spmem:s3], $0x80, s12, s7, $0xb8;
	[tilespmem:$0x12148] =	vst v63  }
0x7f: {  	s2 =	simm.s32 $0xC0  }
0x80: {  	[tilespmem:s13], [sflag:$0x7] =	stream.indirect.gather [spmem:s3], $0x80, s2, s7, $0xb8;
	[tilespmem:$0x12148] =	vst v63  }
0x81: {  	_ = 	snop  }
0x82: {  	[tilespmem:s15], [sflag:$0x8] =	stream.indirect.gather [spmem:s3], $0x80, s14, s7, $0xb8;
	[tilespmem:$0x12148] =	vst v63  }
0x83: {  	_ = 	snop  }
0x84: {  	[tilespmem:s17], [sflag:$0x9] =	stream.indirect.gather [spmem:s3], $0x80, s16, s7, $0xb8;
	[tilespmem:$0x12148] =	vst v63  }
0x85: {  	_ = 	snop  }
0x86: {  	[tilespmem:s19], [sflag:$0xA] =	stream.indirect.gather [spmem:s3], $0x80, s18, s7, $0xb8;
	[tilespmem:$0x12148] =	vst v63  }
0x87: {  	_ = 	snop  }
0x88: {  	[tilespmem:s21], [sflag:$0xB] =	stream.indirect.gather [spmem:s3], $0x80, s20, s7, $0xb8;
	[tilespmem:$0x12148] =	vst v63  }
0x89: {  	_ =	swait.ge [sflag:s22], $0x2000  }
0x8a: {  	[sflag:s22] =	ssyncset.done $0x0  }
0x8b: {  	[sflag:s22] =	ssyncadd.s32 $0xFFFFE000  }
0x8c: {  	[hbm4b:s5+s4] =	stream.linear.scatter [tilespmem:s8], [sflag:$0x3], $0x2000, $0x38;
	[tilespmem:$0x12148] =	vst v63  }
0x8d: {  	_ =	swait.ge [sflag:s23], $0x2000  }
0x8e: {  	[sflag:s23] =	ssyncset.done $0x0  }
0x8f: {  	s12 =	rddreg [dreg:$0x8];
	[sflag:s23] =	ssyncadd.s32 $0xFFFFE000  }
0x90: {  	[hbm4b:s12+s4] =	stream.linear.scatter [tilespmem:s10], [sflag:$0x3], $0x2000, $0x38;
	[tilespmem:$0x12148] =	vst v63  }
0x91: {  	_ =	swait.ge [sflag:s24], $0x2000  }
0x92: {  	[sflag:s24] =	ssyncset.done $0x0  }
0x93: {  	s2 =	rddreg [dreg:$0x9];
	[sflag:s24] =	ssyncadd.s32 $0xFFFFE000  }
0x94: {  	[hbm4b:s2+s4] =	stream.linear.scatter [tilespmem:s11], [sflag:$0x3], $0x2000, $0x38;
	[tilespmem:$0x12148] =	vst v63  }
0x95: {  	_ =	swait.ge [sflag:s25], $0x2000  }
0x96: {  	[sflag:s25] =	ssyncset.done $0x0  }
0x97: {  	s12 =	rddreg [dreg:$0xa];
	[sflag:s25] =	ssyncadd.s32 $0xFFFFE000  }
0x98: {  	[hbm4b:s12+s4] =	stream.linear.scatter [tilespmem:s13], [sflag:$0x3], $0x2000, $0x38;
	[tilespmem:$0x12148] =	vst v63  }
0x99: {  	_ =	swait.ge [sflag:s26], $0x2000  }
0x9a: {  	[sflag:s26] =	ssyncset.done $0x0  }
0x9b: {  	s2 =	rddreg [dreg:$0xb];
	[sflag:s26] =	ssyncadd.s32 $0xFFFFE000  }
0x9c: {  	[hbm4b:s2+s4] =	stream.linear.scatter [tilespmem:s15], [sflag:$0x3], $0x2000, $0x38;
	[tilespmem:$0x12148] =	vst v63  }
0x9d: {  	_ =	swait.ge [sflag:s28], $0x2000  }
0x9e: {  	[sflag:s28] =	ssyncset.done $0x0  }
0x9f: {  	s12 =	rddreg [dreg:$0xc];
	[sflag:s28] =	ssyncadd.s32 $0xFFFFE000  }
0xa0: {  	[hbm4b:s12+s4] =	stream.linear.scatter [tilespmem:s17], [sflag:$0x3], $0x2000, $0x38;
	[tilespmem:$0x12148] =	vst v63  }
0xa1: {  	_ =	swait.ge [sflag:s29], $0x2000  }
0xa2: {  	[sflag:s29] =	ssyncset.done $0x0  }
0xa3: {  	s2 =	rddreg [dreg:$0xd];
	[sflag:s29] =	ssyncadd.s32 $0xFFFFE000  }
0xa4: {  	[hbm4b:s2+s4] =	stream.linear.scatter [tilespmem:s19], [sflag:$0x3], $0x2000, $0x38;
	[tilespmem:$0x12148] =	vst v63  }
0xa5: {  	_ =	swait.ge [sflag:s30], $0x2000  }
0xa6: {  	[sflag:s30] =	ssyncset.done $0x0  }
0xa7: {  	s12 =	rddreg [dreg:$0xe];
	[sflag:s30] =	ssyncadd.s32 $0xFFFFE000  }
0xa8: {  	[hbm4b:s12+s4] =	stream.linear.scatter [tilespmem:s21], [sflag:$0x3], $0x2000, $0x38;
	[tilespmem:$0x12148] =	vst v63  }
0xa9: {  	_ =	swait.ge [sflag:s31], $0x2000  }
0xaa: {  	[sflag:s31] =	ssyncset.done $0x0  }
0xab: {  	[sflag:s31] =	ssyncadd.s32 $0xFFFFE000  }
0xac: {  	_ =	swait.ge [sflag:s31], $0x2000  }
0xad: {  	[sflag:s31] =	ssyncset.done $0x0  }
0xae: {  	[sflag:s31] =	ssyncadd.s32 $0xFFFFE000  }
0xaf: {  	_ =	swait.ge [sflag:s31], $0x2000  }
0xb0: {  	[sflag:s31] =	ssyncset.done $0x0  }
0xb1: {  	[sflag:s31] =	ssyncadd.s32 $0xFFFFE000  }
0xb2: {  	_ =	swait.ge [sflag:s31], $0x2000  }
0xb3: {  	[sflag:s31] =	ssyncset.done $0x0  }
0xb4: {  	[sflag:s31] =	ssyncadd.s32 $0xFFFFE000  }
0xb5: {  	_ =	swait.ge [sflag:s31], $0x2000  }
0xb6: {  	[sflag:s31] =	ssyncset.done $0x0  }
0xb7: {  	[sflag:s31] =	ssyncadd.s32 $0xFFFFE000  }
0xb8: {  	_ =	swait.ge [sflag:s31], $0x2000  }
0xb9: {  	p0 =	sne.s32 s0, $0x1;
	[sflag:s31] =	ssyncset.done $0x0  }
.Ltmp1:
0xba: {  	[sflag:s31] =	ssyncadd.s32 $0xFFFFE000;
	(pc) =	sbr.rel @p0 .LBB2_1-.Ltmp1, $4  }
0xbb: {  	_ =	swait.ge [sflag:s31], $0x2000  }
0xbc: {  	[sflag:s31] =	ssyncset.done $0x0  }
0xbd: {  	[sflag:s31] =	ssyncadd.s32 $0xFFFFE000  }
0xbe: {  	s0 =	sadd.s32 $0xFFFFFFFF, s0;
	_ =	swait.ge [sflag:s31], $0x2000  }
.LBB2_2:
0xbf: {  	[sflag:s31] =	ssyncset.done $0x0  }
0xc0: {  	[sflag:s31] =	ssyncadd.s32 $0xFFFFE000  }
0xc1: {  	_ =	sfence.sel $0x180000  }
0xc2: {  	[bflag:$0x0] =	sbarrier.arrive $0xFFFF  }
0xc3: {  	_ =	strace $0x90000047  }
0xc4: {  	s0 =	stileid.u32;
	[bflag:$0x2] =	sbarrier.arrive $0xFFFF  }
0xc5: {  	p0 =	sne.s32 s0, $0x0;
	s0 =	rddreg [dreg:$0x4]  }
0xc6: {  	s0 =	sadd.s32 @!p0 $0x100000, s0  }
0xc7: {  	[sflag:s0] =	ssyncadd.tile.s32 @!p0 $0x1;
	_ =	shalt  }
.Lfunc_end2:
_tile_overlayer_lowered:
.L_overlay_start_2:
0xc8: {  	(tag) =	ssettag $0x2  }
0xc9: {  	s0 =	rddreg [dreg:$0x0];
	s2 =	stileid.u32  }
0xca: {  	s1 =	rddreg [dreg:$0x1];
	p0 =	sne.s32 s2, $0x0  }
0xcb: {  	s3 =	rddreg [dreg:$0x2];
	[bflag:$0x3] =	sbarrier.arrive $0xFFFF;
	s2 =	simm.s32 @!p0 $0x1C0C  }
0xcc: {  	[timem:s3], [sflag:s2] =	dma.local @!p0 [hbm:s0], s1  }
0xcd: {  	s0 =	simm.s32 @!p0 $0xC  }
0xce: {  	_ =	swait.ge @!p0 [sflag:s0], s1  }
0xcf: {  	s1 =	ssub.s32 @!p0 $0x0, s1;
	[sflag:s0] =	ssyncset.done @!p0 $0x0  }
0xd0: {  	[sflag:s0] =	ssyncadd.s32 @!p0 s1  }
0xd1: {  	[bflag:$0x3] =	sbarrier.arrive $0xFFFF  }
0xd2: {  	_ =	shalt  }

</sc_bundles>
